<compile_context>
chip_gen: v7x
topology: tpu7x:2x2x1
jax: 0.10.2.dev20260603
libtpu: 0.0.44.dev20260713+nightly
codegen_flags: <defaults>
</compile_context>

<pallas_src>
import math

import jax
import jax.numpy as jnp
import numpy as np
from jax import lax
from jax.experimental import pallas as pl
from jax.experimental.pallas import tpu as pltpu
from jax.experimental.pallas import tpu_sc as plsc

_NUM_CORES = 2
_NUM_SUBCORES = 16
_NUM_WORKERS = _NUM_CORES * _NUM_SUBCORES
_LANES = 16

def _pe_table(model_dim: int, max_len: int) -> np.ndarray:
    pos = np.arange(0, max_len, dtype=np.float32)[:, None]
    divterm = np.exp(
        np.arange(0, model_dim, 2, dtype=np.float32) * -(math.log(10000.0) / model_dim)
    )
    pe = np.zeros((max_len, model_dim), dtype=np.float32)
    pe[:, 0::2] = np.sin(pos * divterm)
    pe[:, 1::2] = np.cos(pos * divterm)
    return pe


_PE_NP = _pe_table(128, 4096)


def _build_sc_call(batch: int, seq: int, dim: int):
    ppw = seq // _NUM_WORKERS
    groups = dim // _LANES
    pairs = batch // 2
    mesh = plsc.VectorSubcoreMesh(core_axis_name="c", subcore_axis_name="s")

    def body(idx_hbm, table_hbm, pe_hbm, out_hbm, idx_v, pe_v, rows_v,
             *sems):
        g_sems = sems[:batch]
        i_sems = sems[batch:2 * batch]
        pe_sem = sems[2 * batch]
        st_sem = sems[2 * batch + 1]
        wid = lax.axis_index("s") * _NUM_CORES + lax.axis_index("c")
        p0 = wid * ppw

        idx_cp = [
            pltpu.async_copy(
                idx_hbm.at[b, pl.ds(p0, ppw)],
                idx_v.at[pl.ds(b * ppw, ppw)],
                i_sems[b],
            )
            for b in range(batch)
        ]
        hw = dim // 2
        pe_cp = pltpu.async_copy(
            pe_hbm.at[pl.ds(p0 * hw, ppw * hw)], pe_v, pe_sem
        )

        g_cp = []
        for h in range(pairs):
            idx_cp[2 * h].wait()
            idx_cp[2 * h + 1].wait()
            g_cp.append(
                pltpu.async_copy(
                    table_hbm.at[idx_v.at[pl.ds(2 * h * ppw, 2 * ppw)]],
                    rows_v.at[pl.ds(2 * h * ppw, 2 * ppw), :],
                    g_sems[h],
                )
            )
        pe_cp.wait()

        st_cp = []
        for h in range(pairs):
            b0, b1 = 2 * h, 2 * h + 1
            g_cp[h].wait()

            @plsc.parallel_loop(0, ppw, unroll=2)
            def add_rows(i, b0=b0, b1=b1):
                for j2 in range(groups // 2):
                    w = pe_v[pl.ds(i * hw + j2 * _LANES, _LANES)]
                    lo = lax.bitcast_convert_type(
                        lax.shift_left(w, jnp.int32(16)), jnp.float32
                    )
                    hi = lax.bitcast_convert_type(
                        lax.bitwise_and(w, jnp.int32(-65536)), jnp.float32
                    )
                    for b in (b0, b1):
                        plsc.addupdate(
                            rows_v.at[b * ppw + i, pl.ds(j2 * 32, _LANES)], lo
                        )
                        plsc.addupdate(
                            rows_v.at[b * ppw + i, pl.ds(j2 * 32 + _LANES, _LANES)],
                            hi,
                        )
            for b in (b0, b1):
                st_cp.append(
                    pltpu.async_copy(
                        rows_v.at[pl.ds(b * ppw, ppw), :],
                        out_hbm.at[pl.ds(b * seq + p0, ppw), :],
                        st_sem,
                    )
                )
        for c in st_cp:
            c.wait()

    call = pl.kernel(
        body,
        out_type=jax.ShapeDtypeStruct((batch * seq, dim), jnp.float32),
        mesh=mesh,
        scratch_types=[
            pltpu.VMEM((batch * ppw,), jnp.int32),
            pltpu.VMEM((ppw * dim // 2,), jnp.int32),
            pltpu.VMEM((batch * ppw, dim), jnp.float32),
        ] + [pltpu.SemaphoreType.DMA] * (2 * batch + 2),
    )
    return call


def kernel(tensor, table):
    batch, seq = tensor.shape
    vocab, dim = table.shape
    idx = tensor.astype(jnp.int32)
    pef = _PE_NP[:seq, :dim].reshape(seq, dim // 32, 2, 16)
    u = pef.astype(np.float32).view(np.uint32)
    bits16 = (u + 0x7FFF + ((u >> 16) & 1)) >> 16
    words = (bits16[:, :, 1, :] << 16) | bits16[:, :, 0, :]
    pe = jnp.asarray(words.reshape(seq * dim // 2).astype(np.uint32).view(np.int32))
    call = _build_sc_call(batch, seq, dim)
    out = call(idx, table, pe)
    return out.reshape(batch, seq, dim)

# --- scband reference (transcript-rebuilt; emitter-appended) ---
"""Pipeline reference for scband-transformer-embedding-20134806684124 (READ-ONLY COPY).

The authoritative reference and input builder live on the scoring server;
editing this copy changes nothing except your own understanding.
"""

import math
import jax, jax.numpy as jnp
import numpy as np

VOCAB = 100000
MODEL_DIM = 128
MAX_LEN = 4096
BATCH = 4
SEQ = 2048


def _make_pe(model_dim, max_len):
    pos = jnp.arange(0, max_len, dtype=jnp.float32)[:, None]
    divterm = jnp.exp(jnp.arange(0, model_dim, 2, dtype=jnp.float32) * -(math.log(10000.0) / model_dim))
    pe = jnp.zeros((max_len, model_dim), dtype=jnp.float32)
    pe = pe.at[:, 0::2].set(jnp.sin(pos * divterm))
    pe = pe.at[:, 1::2].set(jnp.cos(pos * divterm))
    return pe[None, :, :]  # [1, max_len, model_dim]


def setup_inputs(seed: int = 0) -> dict:
    key = jax.random.key(seed)
    k_idx, k_tab = jax.random.split(key)
    tokens = jax.random.randint(k_idx, (BATCH, SEQ), 0, VOCAB, dtype=jnp.int64 if jax.config.jax_enable_x64 else jnp.int32)
    table = jax.random.normal(k_tab, (VOCAB, MODEL_DIM), dtype=jnp.float32)
    # padding_idx=0: row 0 of embedding table is zeros (as in torch nn.Embedding padding_idx)
    table = table.at[0].set(0.0)
    return {"tensor": tokens, "table": table}


def reference(tensor, table):
    # TokenEmbedding: gather rows (memory-bound embedding lookup)
    tok_emb = jnp.take(table, tensor, axis=0)  # [B, S, D]
    # PositionalEncoding: fixed sinusoidal buffer, sliced to seq len
    pe = _make_pe(MODEL_DIM, MAX_LEN)  # [1, max_len, D]
    pos_emb = pe[:, :tensor.shape[1]]  # [1, S, D]
    # dropout with p=0.0 is identity
    return tok_emb + pos_emb

if __name__ == "__main__":
    import jax
    _d = setup_inputs()
    print(jax.jit(kernel)(*tuple(_d.values())))

</pallas_src>

<mosaic_0001>
#map = affine_map<(d0, d1) -> (0, 0)>
#map1 = affine_map<(d0, d1) -> (0)>
module attributes {stable_mosaic.version = 14 : i64} {
  func.func @body(%arg0: i32, %arg1: i32, %arg2: memref<4x2048xi32, #tpu.memory_space<hbm>>, %arg3: memref<100000x128xf32, #tpu.memory_space<hbm>>, %arg4: memref<131072xi32, #tpu.memory_space<hbm>>, %arg5: memref<8192x128xf32, #tpu.memory_space<hbm>>, %arg6: memref<256xi32, #tpu.memory_space<vmem>>, %arg7: memref<4096xi32, #tpu.memory_space<vmem>>, %arg8: memref<256x128xf32, #tpu.memory_space<vmem>>, %arg9: memref<!tpu.dma_semaphore, #tpu.memory_space<semaphore_mem>>, %arg10: memref<!tpu.dma_semaphore, #tpu.memory_space<semaphore_mem>>, %arg11: memref<!tpu.dma_semaphore, #tpu.memory_space<semaphore_mem>>, %arg12: memref<!tpu.dma_semaphore, #tpu.memory_space<semaphore_mem>>, %arg13: memref<!tpu.dma_semaphore, #tpu.memory_space<semaphore_mem>>, %arg14: memref<!tpu.dma_semaphore, #tpu.memory_space<semaphore_mem>>, %arg15: memref<!tpu.dma_semaphore, #tpu.memory_space<semaphore_mem>>, %arg16: memref<!tpu.dma_semaphore, #tpu.memory_space<semaphore_mem>>, %arg17: memref<!tpu.dma_semaphore, #tpu.memory_space<semaphore_mem>>, %arg18: memref<!tpu.dma_semaphore, #tpu.memory_space<semaphore_mem>>) attributes {dimension_semantics = [#tpu.dimension_semantics<core_parallel>, #tpu.dimension_semantics<subcore_parallel>], iteration_bounds = array<i64: 2, 16>, scalar_prefetch = 0 : i64, scratch_operands = 13 : i64, tpu.core_type = #tpu.core_type<sc_vector_subcore>, window_params = [{transform_indices = #map}, {transform_indices = #map}, {transform_indices = #map1}, {transform_indices = #map}]} {
    %mul3A = arith.constant 2 : i32
    %mul3A_0 = arith.muli %arg1, %mul3A : i32
    %add3A = arith.addi %mul3A_0, %arg0 : i32
    %mul3A_1 = arith.constant 64 : i32
    %mul3A_2 = arith.muli %add3A, %mul3A_1 : i32
    %dma_start3A = arith.constant 0 : i32
    %dma_start3A_3 = arith.constant 0 : i32
    %dma_start3A_4 = tpu.memref_slice %arg6[%dma_start3A_3] : memref<256xi32, #tpu.memory_space<vmem>> -> memref<64xi32, #tpu.memory_space<vmem>>
    %dma_start3A_5 = tpu.memref_slice %arg2[%dma_start3A, %mul3A_2] : memref<4x2048xi32, #tpu.memory_space<hbm>> -> memref<1x64xi32, #tpu.memory_space<hbm>>
    %dma_start3A_6 = tpu.memref_squeeze %dma_start3A_5 : memref<1x64xi32, #tpu.memory_space<hbm>> -> memref<64xi32, #tpu.memory_space<hbm>>
    %dma_start3A_7 = arith.constant 0 : i32
    %dma_start3A_8 = tpu.memref_slice %arg6[%dma_start3A_7] : memref<256xi32, #tpu.memory_space<vmem>> -> memref<64xi32, #tpu.memory_space<vmem>>
    %dma_start3A_9 = tpu.memref_slice %arg2[%dma_start3A, %mul3A_2] : memref<4x2048xi32, #tpu.memory_space<hbm>> -> memref<1x64xi32, #tpu.memory_space<hbm>>
    %dma_start3A_10 = tpu.memref_squeeze %dma_start3A_9 : memref<1x64xi32, #tpu.memory_space<hbm>> -> memref<64xi32, #tpu.memory_space<hbm>>
    tpu.enqueue_dma source(%dma_start3A_10 : memref<64xi32, #tpu.memory_space<hbm>>) target(%dma_start3A_8 : memref<64xi32, #tpu.memory_space<vmem>>) target_semaphore(%arg13 : memref<!tpu.dma_semaphore, #tpu.memory_space<semaphore_mem>>)
    %dma_start3A_11 = arith.constant 1 : i32
    %dma_start3A_12 = arith.constant 64 : i32
    %dma_start3A_13 = tpu.memref_slice %arg6[%dma_start3A_12] : memref<256xi32, #tpu.memory_space<vmem>> -> memref<64xi32, #tpu.memory_space<vmem>>
    %dma_start3A_14 = tpu.memref_slice %arg2[%dma_start3A_11, %mul3A_2] : memref<4x2048xi32, #tpu.memory_space<hbm>> -> memref<1x64xi32, #tpu.memory_space<hbm>>
    %dma_start3A_15 = tpu.memref_squeeze %dma_start3A_14 : memref<1x64xi32, #tpu.memory_space<hbm>> -> memref<64xi32, #tpu.memory_space<hbm>>
    %dma_start3A_16 = arith.constant 64 : i32
    %dma_start3A_17 = tpu.memref_slice %arg6[%dma_start3A_16] : memref<256xi32, #tpu.memory_space<vmem>> -> memref<64xi32, #tpu.memory_space<vmem>>
    %dma_start3A_18 = tpu.memref_slice %arg2[%dma_start3A_11, %mul3A_2] : memref<4x2048xi32, #tpu.memory_space<hbm>> -> memref<1x64xi32, #tpu.memory_space<hbm>>
    %dma_start3A_19 = tpu.memref_squeeze %dma_start3A_18 : memref<1x64xi32, #tpu.memory_space<hbm>> -> memref<64xi32, #tpu.memory_space<hbm>>
    tpu.enqueue_dma source(%dma_start3A_19 : memref<64xi32, #tpu.memory_space<hbm>>) target(%dma_start3A_17 : memref<64xi32, #tpu.memory_space<vmem>>) target_semaphore(%arg14 : memref<!tpu.dma_semaphore, #tpu.memory_space<semaphore_mem>>)
    %dma_start3A_20 = arith.constant 2 : i32
    %dma_start3A_21 = arith.constant 128 : i32
    %dma_start3A_22 = tpu.memref_slice %arg6[%dma_start3A_21] : memref<256xi32, #tpu.memory_space<vmem>> -> memref<64xi32, #tpu.memory_space<vmem>>
    %dma_start3A_23 = tpu.memref_slice %arg2[%dma_start3A_20, %mul3A_2] : memref<4x2048xi32, #tpu.memory_space<hbm>> -> memref<1x64xi32, #tpu.memory_space<hbm>>
    %dma_start3A_24 = tpu.memref_squeeze %dma_start3A_23 : memref<1x64xi32, #tpu.memory_space<hbm>> -> memref<64xi32, #tpu.memory_space<hbm>>
    %dma_start3A_25 = arith.constant 128 : i32
    %dma_start3A_26 = tpu.memref_slice %arg6[%dma_start3A_25] : memref<256xi32, #tpu.memory_space<vmem>> -> memref<64xi32, #tpu.memory_space<vmem>>
    %dma_start3A_27 = tpu.memref_slice %arg2[%dma_start3A_20, %mul3A_2] : memref<4x2048xi32, #tpu.memory_space<hbm>> -> memref<1x64xi32, #tpu.memory_space<hbm>>
    %dma_start3A_28 = tpu.memref_squeeze %dma_start3A_27 : memref<1x64xi32, #tpu.memory_space<hbm>> -> memref<64xi32, #tpu.memory_space<hbm>>
    tpu.enqueue_dma source(%dma_start3A_28 : memref<64xi32, #tpu.memory_space<hbm>>) target(%dma_start3A_26 : memref<64xi32, #tpu.memory_space<vmem>>) target_semaphore(%arg15 : memref<!tpu.dma_semaphore, #tpu.memory_space<semaphore_mem>>)
    %dma_start3A_29 = arith.constant 3 : i32
    %dma_start3A_30 = arith.constant 192 : i32
    %dma_start3A_31 = tpu.memref_slice %arg6[%dma_start3A_30] : memref<256xi32, #tpu.memory_space<vmem>> -> memref<64xi32, #tpu.memory_space<vmem>>
    %dma_start3A_32 = tpu.memref_slice %arg2[%dma_start3A_29, %mul3A_2] : memref<4x2048xi32, #tpu.memory_space<hbm>> -> memref<1x64xi32, #tpu.memory_space<hbm>>
    %dma_start3A_33 = tpu.memref_squeeze %dma_start3A_32 : memref<1x64xi32, #tpu.memory_space<hbm>> -> memref<64xi32, #tpu.memory_space<hbm>>
    %dma_start3A_34 = arith.constant 192 : i32
    %dma_start3A_35 = tpu.memref_slice %arg6[%dma_start3A_34] : memref<256xi32, #tpu.memory_space<vmem>> -> memref<64xi32, #tpu.memory_space<vmem>>
    %dma_start3A_36 = tpu.memref_slice %arg2[%dma_start3A_29, %mul3A_2] : memref<4x2048xi32, #tpu.memory_space<hbm>> -> memref<1x64xi32, #tpu.memory_space<hbm>>
    %dma_start3A_37 = tpu.memref_squeeze %dma_start3A_36 : memref<1x64xi32, #tpu.memory_space<hbm>> -> memref<64xi32, #tpu.memory_space<hbm>>
    tpu.enqueue_dma source(%dma_start3A_37 : memref<64xi32, #tpu.memory_space<hbm>>) target(%dma_start3A_35 : memref<64xi32, #tpu.memory_space<vmem>>) target_semaphore(%arg16 : memref<!tpu.dma_semaphore, #tpu.memory_space<semaphore_mem>>)
    %mul3A_38 = arith.constant 64 : i32
    %mul3A_39 = arith.muli %mul3A_2, %mul3A_38 : i32
    %dma_start3A_40 = tpu.memref_slice %arg4[%mul3A_39] : memref<131072xi32, #tpu.memory_space<hbm>> -> memref<4096xi32, #tpu.memory_space<hbm>>
    %dma_start3A_41 = tpu.memref_slice %arg4[%mul3A_39] : memref<131072xi32, #tpu.memory_space<hbm>> -> memref<4096xi32, #tpu.memory_space<hbm>>
    tpu.enqueue_dma source(%dma_start3A_41 : memref<4096xi32, #tpu.memory_space<hbm>>) target(%arg7 : memref<4096xi32, #tpu.memory_space<vmem>>) target_semaphore(%arg17 : memref<!tpu.dma_semaphore, #tpu.memory_space<semaphore_mem>>)
    %dma_wait3A = arith.constant 0 : i32
    %dma_wait3A_42 = arith.constant 0 : i32
    %dma_wait3A_43 = tpu.memref_slice %arg6[%dma_wait3A_42] : memref<256xi32, #tpu.memory_space<vmem>> -> memref<64xi32, #tpu.memory_space<vmem>>
    %dma_wait3A_44 = tpu.memref_slice %arg2[%dma_wait3A, %mul3A_2] : memref<4x2048xi32, #tpu.memory_space<hbm>> -> memref<1x64xi32, #tpu.memory_space<hbm>>
    %dma_wait3A_45 = tpu.memref_squeeze %dma_wait3A_44 : memref<1x64xi32, #tpu.memory_space<hbm>> -> memref<64xi32, #tpu.memory_space<hbm>>
    %dma_wait3A_46 = arith.constant 0 : i32
    %dma_wait3A_47 = tpu.memref_slice %arg6[%dma_wait3A_46] : memref<256xi32, #tpu.memory_space<vmem>> -> memref<64xi32, #tpu.memory_space<vmem>>
    %dma_wait3A_48 = tpu.memref_slice %arg2[%dma_wait3A, %mul3A_2] : memref<4x2048xi32, #tpu.memory_space<hbm>> -> memref<1x64xi32, #tpu.memory_space<hbm>>
    %dma_wait3A_49 = tpu.memref_squeeze %dma_wait3A_48 : memref<1x64xi32, #tpu.memory_space<hbm>> -> memref<64xi32, #tpu.memory_space<hbm>>
    tpu.wait_dma2 semaphore(%arg13 : memref<!tpu.dma_semaphore, #tpu.memory_space<semaphore_mem>>) src(%dma_wait3A_49 : memref<64xi32, #tpu.memory_space<hbm>>) dst(%dma_wait3A_47 : memref<64xi32, #tpu.memory_space<vmem>>)
    %dma_wait3A_50 = arith.constant 1 : i32
    %dma_wait3A_51 = arith.constant 64 : i32
    %dma_wait3A_52 = tpu.memref_slice %arg6[%dma_wait3A_51] : memref<256xi32, #tpu.memory_space<vmem>> -> memref<64xi32, #tpu.memory_space<vmem>>
    %dma_wait3A_53 = tpu.memref_slice %arg2[%dma_wait3A_50, %mul3A_2] : memref<4x2048xi32, #tpu.memory_space<hbm>> -> memref<1x64xi32, #tpu.memory_space<hbm>>
    %dma_wait3A_54 = tpu.memref_squeeze %dma_wait3A_53 : memref<1x64xi32, #tpu.memory_space<hbm>> -> memref<64xi32, #tpu.memory_space<hbm>>
    %dma_wait3A_55 = arith.constant 64 : i32
    %dma_wait3A_56 = tpu.memref_slice %arg6[%dma_wait3A_55] : memref<256xi32, #tpu.memory_space<vmem>> -> memref<64xi32, #tpu.memory_space<vmem>>
    %dma_wait3A_57 = tpu.memref_slice %arg2[%dma_wait3A_50, %mul3A_2] : memref<4x2048xi32, #tpu.memory_space<hbm>> -> memref<1x64xi32, #tpu.memory_space<hbm>>
    %dma_wait3A_58 = tpu.memref_squeeze %dma_wait3A_57 : memref<1x64xi32, #tpu.memory_space<hbm>> -> memref<64xi32, #tpu.memory_space<hbm>>
    tpu.wait_dma2 semaphore(%arg14 : memref<!tpu.dma_semaphore, #tpu.memory_space<semaphore_mem>>) src(%dma_wait3A_58 : memref<64xi32, #tpu.memory_space<hbm>>) dst(%dma_wait3A_56 : memref<64xi32, #tpu.memory_space<vmem>>)
    %dma_start3A_59 = arith.constant 0 : i32
    %dma_start3A_60 = arith.constant 0 : i32
    %dma_start3A_61 = tpu.memref_slice %arg8[%dma_start3A_59, %dma_start3A_60] : memref<256x128xf32, #tpu.memory_space<vmem>> -> memref<128x128xf32, #tpu.memory_space<vmem>>
    %dma_start3A_62 = arith.constant 0 : i32
    %dma_start3A_63 = tpu.memref_slice %arg6[%dma_start3A_62] : memref<256xi32, #tpu.memory_space<vmem>> -> memref<128xi32, #tpu.memory_space<vmem>>
    %dma_start3A_64 = arith.constant 0 : i32
    %dma_start3A_65 = arith.constant 0 : i32
    %dma_start3A_66 = tpu.memref_slice %arg3[%dma_start3A_64, %dma_start3A_65] : memref<100000x128xf32, #tpu.memory_space<hbm>> -> memref<100000x128xf32, #tpu.memory_space<hbm>>
    tpu.enqueue_indirect_dma source(%dma_start3A_66 : memref<100000x128xf32, #tpu.memory_space<hbm>>) target(%dma_start3A_61 : memref<128x128xf32, #tpu.memory_space<vmem>>) offsets(%dma_start3A_63 : memref<128xi32, #tpu.memory_space<vmem>>) semaphore(%arg9 : memref<!tpu.dma_semaphore, #tpu.memory_space<semaphore_mem>>)
    %dma_wait3A_67 = arith.constant 2 : i32
    %dma_wait3A_68 = arith.constant 128 : i32
    %dma_wait3A_69 = tpu.memref_slice %arg6[%dma_wait3A_68] : memref<256xi32, #tpu.memory_space<vmem>> -> memref<64xi32, #tpu.memory_space<vmem>>
    %dma_wait3A_70 = tpu.memref_slice %arg2[%dma_wait3A_67, %mul3A_2] : memref<4x2048xi32, #tpu.memory_space<hbm>> -> memref<1x64xi32, #tpu.memory_space<hbm>>
    %dma_wait3A_71 = tpu.memref_squeeze %dma_wait3A_70 : memref<1x64xi32, #tpu.memory_space<hbm>> -> memref<64xi32, #tpu.memory_space<hbm>>
    %dma_wait3A_72 = arith.constant 128 : i32
    %dma_wait3A_73 = tpu.memref_slice %arg6[%dma_wait3A_72] : memref<256xi32, #tpu.memory_space<vmem>> -> memref<64xi32, #tpu.memory_space<vmem>>
    %dma_wait3A_74 = tpu.memref_slice %arg2[%dma_wait3A_67, %mul3A_2] : memref<4x2048xi32, #tpu.memory_space<hbm>> -> memref<1x64xi32, #tpu.memory_space<hbm>>
    %dma_wait3A_75 = tpu.memref_squeeze %dma_wait3A_74 : memref<1x64xi32, #tpu.memory_space<hbm>> -> memref<64xi32, #tpu.memory_space<hbm>>
    tpu.wait_dma2 semaphore(%arg15 : memref<!tpu.dma_semaphore, #tpu.memory_space<semaphore_mem>>) src(%dma_wait3A_75 : memref<64xi32, #tpu.memory_space<hbm>>) dst(%dma_wait3A_73 : memref<64xi32, #tpu.memory_space<vmem>>)
    %dma_wait3A_76 = arith.constant 3 : i32
    %dma_wait3A_77 = arith.constant 192 : i32
    %dma_wait3A_78 = tpu.memref_slice %arg6[%dma_wait3A_77] : memref<256xi32, #tpu.memory_space<vmem>> -> memref<64xi32, #tpu.memory_space<vmem>>
    %dma_wait3A_79 = tpu.memref_slice %arg2[%dma_wait3A_76, %mul3A_2] : memref<4x2048xi32, #tpu.memory_space<hbm>> -> memref<1x64xi32, #tpu.memory_space<hbm>>
    %dma_wait3A_80 = tpu.memref_squeeze %dma_wait3A_79 : memref<1x64xi32, #tpu.memory_space<hbm>> -> memref<64xi32, #tpu.memory_space<hbm>>
    %dma_wait3A_81 = arith.constant 192 : i32
    %dma_wait3A_82 = tpu.memref_slice %arg6[%dma_wait3A_81] : memref<256xi32, #tpu.memory_space<vmem>> -> memref<64xi32, #tpu.memory_space<vmem>>
    %dma_wait3A_83 = tpu.memref_slice %arg2[%dma_wait3A_76, %mul3A_2] : memref<4x2048xi32, #tpu.memory_space<hbm>> -> memref<1x64xi32, #tpu.memory_space<hbm>>
    %dma_wait3A_84 = tpu.memref_squeeze %dma_wait3A_83 : memref<1x64xi32, #tpu.memory_space<hbm>> -> memref<64xi32, #tpu.memory_space<hbm>>
    tpu.wait_dma2 semaphore(%arg16 : memref<!tpu.dma_semaphore, #tpu.memory_space<semaphore_mem>>) src(%dma_wait3A_84 : memref<64xi32, #tpu.memory_space<hbm>>) dst(%dma_wait3A_82 : memref<64xi32, #tpu.memory_space<vmem>>)
    %dma_start3A_85 = arith.constant 128 : i32
    %dma_start3A_86 = arith.constant 0 : i32
    %dma_start3A_87 = tpu.memref_slice %arg8[%dma_start3A_85, %dma_start3A_86] : memref<256x128xf32, #tpu.memory_space<vmem>> -> memref<128x128xf32, #tpu.memory_space<vmem>>
    %dma_start3A_88 = arith.constant 128 : i32
    %dma_start3A_89 = tpu.memref_slice %arg6[%dma_start3A_88] : memref<256xi32, #tpu.memory_space<vmem>> -> memref<128xi32, #tpu.memory_space<vmem>>
    %dma_start3A_90 = arith.constant 0 : i32
    %dma_start3A_91 = arith.constant 0 : i32
    %dma_start3A_92 = tpu.memref_slice %arg3[%dma_start3A_90, %dma_start3A_91] : memref<100000x128xf32, #tpu.memory_space<hbm>> -> memref<100000x128xf32, #tpu.memory_space<hbm>>
    tpu.enqueue_indirect_dma source(%dma_start3A_92 : memref<100000x128xf32, #tpu.memory_space<hbm>>) target(%dma_start3A_87 : memref<128x128xf32, #tpu.memory_space<vmem>>) offsets(%dma_start3A_89 : memref<128xi32, #tpu.memory_space<vmem>>) semaphore(%arg10 : memref<!tpu.dma_semaphore, #tpu.memory_space<semaphore_mem>>)
    %dma_wait3A_93 = tpu.memref_slice %arg4[%mul3A_39] : memref<131072xi32, #tpu.memory_space<hbm>> -> memref<4096xi32, #tpu.memory_space<hbm>>
    %dma_wait3A_94 = tpu.memref_slice %arg4[%mul3A_39] : memref<131072xi32, #tpu.memory_space<hbm>> -> memref<4096xi32, #tpu.memory_space<hbm>>
    tpu.wait_dma2 semaphore(%arg17 : memref<!tpu.dma_semaphore, #tpu.memory_space<semaphore_mem>>) src(%dma_wait3A_94 : memref<4096xi32, #tpu.memory_space<hbm>>) dst(%arg7 : memref<4096xi32, #tpu.memory_space<vmem>>)
    %dma_wait3A_95 = arith.constant 0 : i32
    %dma_wait3A_96 = arith.constant 0 : i32
    %dma_wait3A_97 = tpu.memref_slice %arg8[%dma_wait3A_95, %dma_wait3A_96] : memref<256x128xf32, #tpu.memory_space<vmem>> -> memref<128x128xf32, #tpu.memory_space<vmem>>
    %dma_wait3A_98 = arith.constant 0 : i32
    %dma_wait3A_99 = tpu.memref_slice %arg6[%dma_wait3A_98] : memref<256xi32, #tpu.memory_space<vmem>> -> memref<128xi32, #tpu.memory_space<vmem>>
    %dma_wait3A_100 = arith.constant 0 : i32
    %dma_wait3A_101 = arith.constant 0 : i32
    %dma_wait3A_102 = tpu.memref_slice %arg3[%dma_wait3A_100, %dma_wait3A_101] : memref<100000x128xf32, #tpu.memory_space<hbm>> -> memref<100000x128xf32, #tpu.memory_space<hbm>>
    tpu.wait_indirect_dma semaphore(%arg9 : memref<!tpu.dma_semaphore, #tpu.memory_space<semaphore_mem>>) src(%dma_wait3A_102 : memref<100000x128xf32, #tpu.memory_space<hbm>>) dst(%dma_wait3A_97 : memref<128x128xf32, #tpu.memory_space<vmem>>)
    %parallel_loop3A = arith.constant 0 : i32
    %parallel_loop3A_103 = arith.constant 64 : i32
    %parallel_loop3A_104 = arith.constant 1 : i32
    scf.for %parallel_loop3A_204 = %parallel_loop3A to %parallel_loop3A_103 step %parallel_loop3A_104  : i32 {
      %parallel_loop3A_205 = arith.constant 64 : i32
      %parallel_loop3A_206 = arith.muli %parallel_loop3A_204, %parallel_loop3A_205 : i32
      %parallel_loop3A_207 = arith.constant 0 : i32
      %parallel_loop3A_208 = arith.addi %parallel_loop3A_206, %parallel_loop3A_207 : i32
      %parallel_loop3A_209 = arith.index_cast %parallel_loop3A_208 : i32 to index
      %parallel_loop3A_210 = tpu.vector_load %arg7[%parallel_loop3A_209] {strides = array<i32>} : memref<4096xi32, #tpu.memory_space<vmem>>, vector<16xi32>,
      %parallel_loop3A_211 = vector.shape_cast %parallel_loop3A_210 : vector<16xi32> to vector<16xi32>
      %parallel_loop3A_212 = arith.constant 16 : i32
      %parallel_loop3A_213 = vector.broadcast %parallel_loop3A_212 : i32 to vector<16xi32>
      %parallel_loop3A_214 = arith.shli %parallel_loop3A_211, %parallel_loop3A_213 : vector<16xi32>
      %parallel_loop3A_215 = tpu.bitcast %parallel_loop3A_214 : vector<16xi32> -> vector<16xf32>
      %parallel_loop3A_216 = arith.constant -65536 : i32
      %parallel_loop3A_217 = vector.broadcast %parallel_loop3A_216 : i32 to vector<16xi32>
      %parallel_loop3A_218 = arith.andi %parallel_loop3A_211, %parallel_loop3A_217 : vector<16xi32>
      %parallel_loop3A_219 = tpu.bitcast %parallel_loop3A_218 : vector<16xi32> -> vector<16xf32>
      %parallel_loop3A_220 = arith.constant 0 : i32
      %parallel_loop3A_221 = arith.addi %parallel_loop3A_220, %parallel_loop3A_204 : i32
      %parallel_loop3A_222 = arith.index_cast %parallel_loop3A_221 : i32 to index
      %parallel_loop3A_223 = arith.constant 0 : index
      %parallel_loop3A_224 = tpu.vector_load %arg8[%parallel_loop3A_222, %parallel_loop3A_223] {strides = array<i32>} : memref<256x128xf32, #tpu.memory_space<vmem>>, vector<1x16xf32>,
      %parallel_loop3A_225 = vector.shape_cast %parallel_loop3A_224 : vector<1x16xf32> to vector<16xf32>
      %parallel_loop3A_226 = vector.shape_cast %parallel_loop3A_215 : vector<16xf32> to vector<1x16xf32>
      tpu.vector_store %arg8[%parallel_loop3A_222, %parallel_loop3A_223], %parallel_loop3A_226 {add = true, strides = array<i32>} : memref<256x128xf32, #tpu.memory_space<vmem>>, vector<1x16xf32>,
      %parallel_loop3A_227 = arith.constant 0 : i32
      %parallel_loop3A_228 = arith.addi %parallel_loop3A_227, %parallel_loop3A_204 : i32
      %parallel_loop3A_229 = arith.index_cast %parallel_loop3A_228 : i32 to index
      %parallel_loop3A_230 = arith.constant 16 : index
      %parallel_loop3A_231 = tpu.vector_load %arg8[%parallel_loop3A_229, %parallel_loop3A_230] {strides = array<i32>} : memref<256x128xf32, #tpu.memory_space<vmem>>, vector<1x16xf32>,
      %parallel_loop3A_232 = vector.shape_cast %parallel_loop3A_231 : vector<1x16xf32> to vector<16xf32>
      %parallel_loop3A_233 = vector.shape_cast %parallel_loop3A_219 : vector<16xf32> to vector<1x16xf32>
      tpu.vector_store %arg8[%parallel_loop3A_229, %parallel_loop3A_230], %parallel_loop3A_233 {add = true, strides = array<i32>} : memref<256x128xf32, #tpu.memory_space<vmem>>, vector<1x16xf32>,
      %parallel_loop3A_234 = arith.constant 64 : i32
      %parallel_loop3A_235 = arith.addi %parallel_loop3A_234, %parallel_loop3A_204 : i32
      %parallel_loop3A_236 = arith.index_cast %parallel_loop3A_235 : i32 to index
      %parallel_loop3A_237 = arith.constant 0 : index
      %parallel_loop3A_238 = tpu.vector_load %arg8[%parallel_loop3A_236, %parallel_loop3A_237] {strides = array<i32>} : memref<256x128xf32, #tpu.memory_space<vmem>>, vector<1x16xf32>,
      %parallel_loop3A_239 = vector.shape_cast %parallel_loop3A_238 : vector<1x16xf32> to vector<16xf32>
      %parallel_loop3A_240 = vector.shape_cast %parallel_loop3A_215 : vector<16xf32> to vector<1x16xf32>
      tpu.vector_store %arg8[%parallel_loop3A_236, %parallel_loop3A_237], %parallel_loop3A_240 {add = true, strides = array<i32>} : memref<256x128xf32, #tpu.memory_space<vmem>>, vector<1x16xf32>,
      %parallel_loop3A_241 = arith.constant 64 : i32
      %parallel_loop3A_242 = arith.addi %parallel_loop3A_241, %parallel_loop3A_204 : i32
      %parallel_loop3A_243 = arith.index_cast %parallel_loop3A_242 : i32 to index
      %parallel_loop3A_244 = arith.constant 16 : index
      %parallel_loop3A_245 = tpu.vector_load %arg8[%parallel_loop3A_243, %parallel_loop3A_244] {strides = array<i32>} : memref<256x128xf32, #tpu.memory_space<vmem>>, vector<1x16xf32>,
      %parallel_loop3A_246 = vector.shape_cast %parallel_loop3A_245 : vector<1x16xf32> to vector<16xf32>
      %parallel_loop3A_247 = vector.shape_cast %parallel_loop3A_219 : vector<16xf32> to vector<1x16xf32>
      tpu.vector_store %arg8[%parallel_loop3A_243, %parallel_loop3A_244], %parallel_loop3A_247 {add = true, strides = array<i32>} : memref<256x128xf32, #tpu.memory_space<vmem>>, vector<1x16xf32>,
      %parallel_loop3A_248 = arith.constant 64 : i32
      %parallel_loop3A_249 = arith.muli %parallel_loop3A_204, %parallel_loop3A_248 : i32
      %parallel_loop3A_250 = arith.constant 16 : i32
      %parallel_loop3A_251 = arith.addi %parallel_loop3A_249, %parallel_loop3A_250 : i32
      %parallel_loop3A_252 = arith.index_cast %parallel_loop3A_251 : i32 to index
      %parallel_loop3A_253 = tpu.vector_load %arg7[%parallel_loop3A_252] {strides = array<i32>} : memref<4096xi32, #tpu.memory_space<vmem>>, vector<16xi32>,
      %parallel_loop3A_254 = vector.shape_cast %parallel_loop3A_253 : vector<16xi32> to vector<16xi32>
      %parallel_loop3A_255 = arith.constant 16 : i32
      %parallel_loop3A_256 = vector.broadcast %parallel_loop3A_255 : i32 to vector<16xi32>
      %parallel_loop3A_257 = arith.shli %parallel_loop3A_254, %parallel_loop3A_256 : vector<16xi32>
      %parallel_loop3A_258 = tpu.bitcast %parallel_loop3A_257 : vector<16xi32> -> vector<16xf32>
      %parallel_loop3A_259 = arith.constant -65536 : i32
      %parallel_loop3A_260 = vector.broadcast %parallel_loop3A_259 : i32 to vector<16xi32>
      %parallel_loop3A_261 = arith.andi %parallel_loop3A_254, %parallel_loop3A_260 : vector<16xi32>
      %parallel_loop3A_262 = tpu.bitcast %parallel_loop3A_261 : vector<16xi32> -> vector<16xf32>
      %parallel_loop3A_263 = arith.constant 0 : i32
      %parallel_loop3A_264 = arith.addi %parallel_loop3A_263, %parallel_loop3A_204 : i32
      %parallel_loop3A_265 = arith.index_cast %parallel_loop3A_264 : i32 to index
      %parallel_loop3A_266 = arith.constant 32 : index
      %parallel_loop3A_267 = tpu.vector_load %arg8[%parallel_loop3A_265, %parallel_loop3A_266] {strides = array<i32>} : memref<256x128xf32, #tpu.memory_space<vmem>>, vector<1x16xf32>,
      %parallel_loop3A_268 = vector.shape_cast %parallel_loop3A_267 : vector<1x16xf32> to vector<16xf32>
      %parallel_loop3A_269 = vector.shape_cast %parallel_loop3A_258 : vector<16xf32> to vector<1x16xf32>
      tpu.vector_store %arg8[%parallel_loop3A_265, %parallel_loop3A_266], %parallel_loop3A_269 {add = true, strides = array<i32>} : memref<256x128xf32, #tpu.memory_space<vmem>>, vector<1x16xf32>,
      %parallel_loop3A_270 = arith.constant 0 : i32
      %parallel_loop3A_271 = arith.addi %parallel_loop3A_270, %parallel_loop3A_204 : i32
      %parallel_loop3A_272 = arith.index_cast %parallel_loop3A_271 : i32 to index
      %parallel_loop3A_273 = arith.constant 48 : index
      %parallel_loop3A_274 = tpu.vector_load %arg8[%parallel_loop3A_272, %parallel_loop3A_273] {strides = array<i32>} : memref<256x128xf32, #tpu.memory_space<vmem>>, vector<1x16xf32>,
      %parallel_loop3A_275 = vector.shape_cast %parallel_loop3A_274 : vector<1x16xf32> to vector<16xf32>
      %parallel_loop3A_276 = vector.shape_cast %parallel_loop3A_262 : vector<16xf32> to vector<1x16xf32>
      tpu.vector_store %arg8[%parallel_loop3A_272, %parallel_loop3A_273], %parallel_loop3A_276 {add = true, strides = array<i32>} : memref<256x128xf32, #tpu.memory_space<vmem>>, vector<1x16xf32>,
      %parallel_loop3A_277 = arith.constant 64 : i32
      %parallel_loop3A_278 = arith.addi %parallel_loop3A_277, %parallel_loop3A_204 : i32
      %parallel_loop3A_279 = arith.index_cast %parallel_loop3A_278 : i32 to index
      %parallel_loop3A_280 = arith.constant 32 : index
      %parallel_loop3A_281 = tpu.vector_load %arg8[%parallel_loop3A_279, %parallel_loop3A_280] {strides = array<i32>} : memref<256x128xf32, #tpu.memory_space<vmem>>, vector<1x16xf32>,
      %parallel_loop3A_282 = vector.shape_cast %parallel_loop3A_281 : vector<1x16xf32> to vector<16xf32>
      %parallel_loop3A_283 = vector.shape_cast %parallel_loop3A_258 : vector<16xf32> to vector<1x16xf32>
      tpu.vector_store %arg8[%parallel_loop3A_279, %parallel_loop3A_280], %parallel_loop3A_283 {add = true, strides = array<i32>} : memref<256x128xf32, #tpu.memory_space<vmem>>, vector<1x16xf32>,
      %parallel_loop3A_284 = arith.constant 64 : i32
      %parallel_loop3A_285 = arith.addi %parallel_loop3A_284, %parallel_loop3A_204 : i32
      %parallel_loop3A_286 = arith.index_cast %parallel_loop3A_285 : i32 to index
      %parallel_loop3A_287 = arith.constant 48 : index
      %parallel_loop3A_288 = tpu.vector_load %arg8[%parallel_loop3A_286, %parallel_loop3A_287] {strides = array<i32>} : memref<256x128xf32, #tpu.memory_space<vmem>>, vector<1x16xf32>,
      %parallel_loop3A_289 = vector.shape_cast %parallel_loop3A_288 : vector<1x16xf32> to vector<16xf32>
      %parallel_loop3A_290 = vector.shape_cast %parallel_loop3A_262 : vector<16xf32> to vector<1x16xf32>
      tpu.vector_store %arg8[%parallel_loop3A_286, %parallel_loop3A_287], %parallel_loop3A_290 {add = true, strides = array<i32>} : memref<256x128xf32, #tpu.memory_space<vmem>>, vector<1x16xf32>,
      %parallel_loop3A_291 = arith.constant 64 : i32
      %parallel_loop3A_292 = arith.muli %parallel_loop3A_204, %parallel_loop3A_291 : i32
      %parallel_loop3A_293 = arith.constant 32 : i32
      %parallel_loop3A_294 = arith.addi %parallel_loop3A_292, %parallel_loop3A_293 : i32
      %parallel_loop3A_295 = arith.index_cast %parallel_loop3A_294 : i32 to index
      %parallel_loop3A_296 = tpu.vector_load %arg7[%parallel_loop3A_295] {strides = array<i32>} : memref<4096xi32, #tpu.memory_space<vmem>>, vector<16xi32>,
      %parallel_loop3A_297 = vector.shape_cast %parallel_loop3A_296 : vector<16xi32> to vector<16xi32>
      %parallel_loop3A_298 = arith.constant 16 : i32
      %parallel_loop3A_299 = vector.broadcast %parallel_loop3A_298 : i32 to vector<16xi32>
      %parallel_loop3A_300 = arith.shli %parallel_loop3A_297, %parallel_loop3A_299 : vector<16xi32>
      %parallel_loop3A_301 = tpu.bitcast %parallel_loop3A_300 : vector<16xi32> -> vector<16xf32>
      %parallel_loop3A_302 = arith.constant -65536 : i32
      %parallel_loop3A_303 = vector.broadcast %parallel_loop3A_302 : i32 to vector<16xi32>
      %parallel_loop3A_304 = arith.andi %parallel_loop3A_297, %parallel_loop3A_303 : vector<16xi32>
      %parallel_loop3A_305 = tpu.bitcast %parallel_loop3A_304 : vector<16xi32> -> vector<16xf32>
      %parallel_loop3A_306 = arith.constant 0 : i32
      %parallel_loop3A_307 = arith.addi %parallel_loop3A_306, %parallel_loop3A_204 : i32
      %parallel_loop3A_308 = arith.index_cast %parallel_loop3A_307 : i32 to index
      %parallel_loop3A_309 = arith.constant 64 : index
      %parallel_loop3A_310 = tpu.vector_load %arg8[%parallel_loop3A_308, %parallel_loop3A_309] {strides = array<i32>} : memref<256x128xf32, #tpu.memory_space<vmem>>, vector<1x16xf32>,
      %parallel_loop3A_311 = vector.shape_cast %parallel_loop3A_310 : vector<1x16xf32> to vector<16xf32>
      %parallel_loop3A_312 = vector.shape_cast %parallel_loop3A_301 : vector<16xf32> to vector<1x16xf32>
      tpu.vector_store %arg8[%parallel_loop3A_308, %parallel_loop3A_309], %parallel_loop3A_312 {add = true, strides = array<i32>} : memref<256x128xf32, #tpu.memory_space<vmem>>, vector<1x16xf32>,
      %parallel_loop3A_313 = arith.constant 0 : i32
      %parallel_loop3A_314 = arith.addi %parallel_loop3A_313, %parallel_loop3A_204 : i32
      %parallel_loop3A_315 = arith.index_cast %parallel_loop3A_314 : i32 to index
      %parallel_loop3A_316 = arith.constant 80 : index
      %parallel_loop3A_317 = tpu.vector_load %arg8[%parallel_loop3A_315, %parallel_loop3A_316] {strides = array<i32>} : memref<256x128xf32, #tpu.memory_space<vmem>>, vector<1x16xf32>,
      %parallel_loop3A_318 = vector.shape_cast %parallel_loop3A_317 : vector<1x16xf32> to vector<16xf32>
      %parallel_loop3A_319 = vector.shape_cast %parallel_loop3A_305 : vector<16xf32> to vector<1x16xf32>
      tpu.vector_store %arg8[%parallel_loop3A_315, %parallel_loop3A_316], %parallel_loop3A_319 {add = true, strides = array<i32>} : memref<256x128xf32, #tpu.memory_space<vmem>>, vector<1x16xf32>,
      %parallel_loop3A_320 = arith.constant 64 : i32
      %parallel_loop3A_321 = arith.addi %parallel_loop3A_320, %parallel_loop3A_204 : i32
      %parallel_loop3A_322 = arith.index_cast %parallel_loop3A_321 : i32 to index
      %parallel_loop3A_323 = arith.constant 64 : index
      %parallel_loop3A_324 = tpu.vector_load %arg8[%parallel_loop3A_322, %parallel_loop3A_323] {strides = array<i32>} : memref<256x128xf32, #tpu.memory_space<vmem>>, vector<1x16xf32>,
      %parallel_loop3A_325 = vector.shape_cast %parallel_loop3A_324 : vector<1x16xf32> to vector<16xf32>
      %parallel_loop3A_326 = vector.shape_cast %parallel_loop3A_301 : vector<16xf32> to vector<1x16xf32>
      tpu.vector_store %arg8[%parallel_loop3A_322, %parallel_loop3A_323], %parallel_loop3A_326 {add = true, strides = array<i32>} : memref<256x128xf32, #tpu.memory_space<vmem>>, vector<1x16xf32>,
      %parallel_loop3A_327 = arith.constant 64 : i32
      %parallel_loop3A_328 = arith.addi %parallel_loop3A_327, %parallel_loop3A_204 : i32
      %parallel_loop3A_329 = arith.index_cast %parallel_loop3A_328 : i32 to index
      %parallel_loop3A_330 = arith.constant 80 : index
      %parallel_loop3A_331 = tpu.vector_load %arg8[%parallel_loop3A_329, %parallel_loop3A_330] {strides = array<i32>} : memref<256x128xf32, #tpu.memory_space<vmem>>, vector<1x16xf32>,
      %parallel_loop3A_332 = vector.shape_cast %parallel_loop3A_331 : vector<1x16xf32> to vector<16xf32>
      %parallel_loop3A_333 = vector.shape_cast %parallel_loop3A_305 : vector<16xf32> to vector<1x16xf32>
      tpu.vector_store %arg8[%parallel_loop3A_329, %parallel_loop3A_330], %parallel_loop3A_333 {add = true, strides = array<i32>} : memref<256x128xf32, #tpu.memory_space<vmem>>, vector<1x16xf32>,
      %parallel_loop3A_334 = arith.constant 64 : i32
      %parallel_loop3A_335 = arith.muli %parallel_loop3A_204, %parallel_loop3A_334 : i32
      %parallel_loop3A_336 = arith.constant 48 : i32
      %parallel_loop3A_337 = arith.addi %parallel_loop3A_335, %parallel_loop3A_336 : i32
      %parallel_loop3A_338 = arith.index_cast %parallel_loop3A_337 : i32 to index
      %parallel_loop3A_339 = tpu.vector_load %arg7[%parallel_loop3A_338] {strides = array<i32>} : memref<4096xi32, #tpu.memory_space<vmem>>, vector<16xi32>,
      %parallel_loop3A_340 = vector.shape_cast %parallel_loop3A_339 : vector<16xi32> to vector<16xi32>
      %parallel_loop3A_341 = arith.constant 16 : i32
      %parallel_loop3A_342 = vector.broadcast %parallel_loop3A_341 : i32 to vector<16xi32>
      %parallel_loop3A_343 = arith.shli %parallel_loop3A_340, %parallel_loop3A_342 : vector<16xi32>
      %parallel_loop3A_344 = tpu.bitcast %parallel_loop3A_343 : vector<16xi32> -> vector<16xf32>
      %parallel_loop3A_345 = arith.constant -65536 : i32
      %parallel_loop3A_346 = vector.broadcast %parallel_loop3A_345 : i32 to vector<16xi32>
      %parallel_loop3A_347 = arith.andi %parallel_loop3A_340, %parallel_loop3A_346 : vector<16xi32>
      %parallel_loop3A_348 = tpu.bitcast %parallel_loop3A_347 : vector<16xi32> -> vector<16xf32>
      %parallel_loop3A_349 = arith.constant 0 : i32
      %parallel_loop3A_350 = arith.addi %parallel_loop3A_349, %parallel_loop3A_204 : i32
      %parallel_loop3A_351 = arith.index_cast %parallel_loop3A_350 : i32 to index
      %parallel_loop3A_352 = arith.constant 96 : index
      %parallel_loop3A_353 = tpu.vector_load %arg8[%parallel_loop3A_351, %parallel_loop3A_352] {strides = array<i32>} : memref<256x128xf32, #tpu.memory_space<vmem>>, vector<1x16xf32>,
      %parallel_loop3A_354 = vector.shape_cast %parallel_loop3A_353 : vector<1x16xf32> to vector<16xf32>
      %parallel_loop3A_355 = vector.shape_cast %parallel_loop3A_344 : vector<16xf32> to vector<1x16xf32>
      tpu.vector_store %arg8[%parallel_loop3A_351, %parallel_loop3A_352], %parallel_loop3A_355 {add = true, strides = array<i32>} : memref<256x128xf32, #tpu.memory_space<vmem>>, vector<1x16xf32>,
      %parallel_loop3A_356 = arith.constant 0 : i32
      %parallel_loop3A_357 = arith.addi %parallel_loop3A_356, %parallel_loop3A_204 : i32
      %parallel_loop3A_358 = arith.index_cast %parallel_loop3A_357 : i32 to index
      %parallel_loop3A_359 = arith.constant 112 : index
      %parallel_loop3A_360 = tpu.vector_load %arg8[%parallel_loop3A_358, %parallel_loop3A_359] {strides = array<i32>} : memref<256x128xf32, #tpu.memory_space<vmem>>, vector<1x16xf32>,
      %parallel_loop3A_361 = vector.shape_cast %parallel_loop3A_360 : vector<1x16xf32> to vector<16xf32>
      %parallel_loop3A_362 = vector.shape_cast %parallel_loop3A_348 : vector<16xf32> to vector<1x16xf32>
      tpu.vector_store %arg8[%parallel_loop3A_358, %parallel_loop3A_359], %parallel_loop3A_362 {add = true, strides = array<i32>} : memref<256x128xf32, #tpu.memory_space<vmem>>, vector<1x16xf32>,
      %parallel_loop3A_363 = arith.constant 64 : i32
      %parallel_loop3A_364 = arith.addi %parallel_loop3A_363, %parallel_loop3A_204 : i32
      %parallel_loop3A_365 = arith.index_cast %parallel_loop3A_364 : i32 to index
      %parallel_loop3A_366 = arith.constant 96 : index
      %parallel_loop3A_367 = tpu.vector_load %arg8[%parallel_loop3A_365, %parallel_loop3A_366] {strides = array<i32>} : memref<256x128xf32, #tpu.memory_space<vmem>>, vector<1x16xf32>,
      %parallel_loop3A_368 = vector.shape_cast %parallel_loop3A_367 : vector<1x16xf32> to vector<16xf32>
      %parallel_loop3A_369 = vector.shape_cast %parallel_loop3A_344 : vector<16xf32> to vector<1x16xf32>
      tpu.vector_store %arg8[%parallel_loop3A_365, %parallel_loop3A_366], %parallel_loop3A_369 {add = true, strides = array<i32>} : memref<256x128xf32, #tpu.memory_space<vmem>>, vector<1x16xf32>,
      %parallel_loop3A_370 = arith.constant 64 : i32
      %parallel_loop3A_371 = arith.addi %parallel_loop3A_370, %parallel_loop3A_204 : i32
      %parallel_loop3A_372 = arith.index_cast %parallel_loop3A_371 : i32 to index
      %parallel_loop3A_373 = arith.constant 112 : index
      %parallel_loop3A_374 = tpu.vector_load %arg8[%parallel_loop3A_372, %parallel_loop3A_373] {strides = array<i32>} : memref<256x128xf32, #tpu.memory_space<vmem>>, vector<1x16xf32>,
      %parallel_loop3A_375 = vector.shape_cast %parallel_loop3A_374 : vector<1x16xf32> to vector<16xf32>
      %parallel_loop3A_376 = vector.shape_cast %parallel_loop3A_348 : vector<16xf32> to vector<1x16xf32>
      tpu.vector_store %arg8[%parallel_loop3A_372, %parallel_loop3A_373], %parallel_loop3A_376 {add = true, strides = array<i32>} : memref<256x128xf32, #tpu.memory_space<vmem>>, vector<1x16xf32>,
    } {sc.loop_unroll_factor = 2 : i64, sc.parallel_access}
    %add3A_105 = arith.constant 0 : i32
    %add3A_106 = arith.addi %add3A_105, %mul3A_2 : i32
    %dma_start3A_107 = arith.constant 0 : i32
    %dma_start3A_108 = arith.constant 0 : i32
    %dma_start3A_109 = tpu.memref_slice %arg8[%dma_start3A_107, %dma_start3A_108] : memref<256x128xf32, #tpu.memory_space<vmem>> -> memref<64x128xf32, #tpu.memory_space<vmem>>
    %dma_start3A_110 = arith.constant 0 : i32
    %dma_start3A_111 = tpu.memref_slice %arg5[%add3A_106, %dma_start3A_110] : memref<8192x128xf32, #tpu.memory_space<hbm>> -> memref<64x128xf32, #tpu.memory_space<hbm>>
    %dma_start3A_112 = arith.constant 0 : i32
    %dma_start3A_113 = tpu.memref_slice %arg5[%add3A_106, %dma_start3A_112] : memref<8192x128xf32, #tpu.memory_space<hbm>> -> memref<64x128xf32, #tpu.memory_space<hbm>>
    %dma_start3A_114 = arith.constant 0 : i32
    %dma_start3A_115 = arith.constant 0 : i32
    %dma_start3A_116 = tpu.memref_slice %arg8[%dma_start3A_114, %dma_start3A_115] : memref<256x128xf32, #tpu.memory_space<vmem>> -> memref<64x128xf32, #tpu.memory_space<vmem>>
    tpu.enqueue_dma source(%dma_start3A_116 : memref<64x128xf32, #tpu.memory_space<vmem>>) target(%dma_start3A_113 : memref<64x128xf32, #tpu.memory_space<hbm>>) target_semaphore(%arg18 : memref<!tpu.dma_semaphore, #tpu.memory_space<semaphore_mem>>)
    %add3A_117 = arith.constant 2048 : i32
    %add3A_118 = arith.addi %add3A_117, %mul3A_2 : i32
    %dma_start3A_119 = arith.constant 64 : i32
    %dma_start3A_120 = arith.constant 0 : i32
    %dma_start3A_121 = tpu.memref_slice %arg8[%dma_start3A_119, %dma_start3A_120] : memref<256x128xf32, #tpu.memory_space<vmem>> -> memref<64x128xf32, #tpu.memory_space<vmem>>
    %dma_start3A_122 = arith.constant 0 : i32
    %dma_start3A_123 = tpu.memref_slice %arg5[%add3A_118, %dma_start3A_122] : memref<8192x128xf32, #tpu.memory_space<hbm>> -> memref<64x128xf32, #tpu.memory_space<hbm>>
    %dma_start3A_124 = arith.constant 0 : i32
    %dma_start3A_125 = tpu.memref_slice %arg5[%add3A_118, %dma_start3A_124] : memref<8192x128xf32, #tpu.memory_space<hbm>> -> memref<64x128xf32, #tpu.memory_space<hbm>>
    %dma_start3A_126 = arith.constant 64 : i32
    %dma_start3A_127 = arith.constant 0 : i32
    %dma_start3A_128 = tpu.memref_slice %arg8[%dma_start3A_126, %dma_start3A_127] : memref<256x128xf32, #tpu.memory_space<vmem>> -> memref<64x128xf32, #tpu.memory_space<vmem>>
    tpu.enqueue_dma source(%dma_start3A_128 : memref<64x128xf32, #tpu.memory_space<vmem>>) target(%dma_start3A_125 : memref<64x128xf32, #tpu.memory_space<hbm>>) target_semaphore(%arg18 : memref<!tpu.dma_semaphore, #tpu.memory_space<semaphore_mem>>)
    %dma_wait3A_129 = arith.constant 128 : i32
    %dma_wait3A_130 = arith.constant 0 : i32
    %dma_wait3A_131 = tpu.memref_slice %arg8[%dma_wait3A_129, %dma_wait3A_130] : memref<256x128xf32, #tpu.memory_space<vmem>> -> memref<128x128xf32, #tpu.memory_space<vmem>>
    %dma_wait3A_132 = arith.constant 128 : i32
    %dma_wait3A_133 = tpu.memref_slice %arg6[%dma_wait3A_132] : memref<256xi32, #tpu.memory_space<vmem>> -> memref<128xi32, #tpu.memory_space<vmem>>
    %dma_wait3A_134 = arith.constant 0 : i32
    %dma_wait3A_135 = arith.constant 0 : i32
    %dma_wait3A_136 = tpu.memref_slice %arg3[%dma_wait3A_134, %dma_wait3A_135] : memref<100000x128xf32, #tpu.memory_space<hbm>> -> memref<100000x128xf32, #tpu.memory_space<hbm>>
    tpu.wait_indirect_dma semaphore(%arg10 : memref<!tpu.dma_semaphore, #tpu.memory_space<semaphore_mem>>) src(%dma_wait3A_136 : memref<100000x128xf32, #tpu.memory_space<hbm>>) dst(%dma_wait3A_131 : memref<128x128xf32, #tpu.memory_space<vmem>>)
    %parallel_loop3A_137 = arith.constant 0 : i32
    %parallel_loop3A_138 = arith.constant 64 : i32
    %parallel_loop3A_139 = arith.constant 1 : i32
    scf.for %parallel_loop3A_204 = %parallel_loop3A_137 to %parallel_loop3A_138 step %parallel_loop3A_139  : i32 {
      %parallel_loop3A_205 = arith.constant 64 : i32
      %parallel_loop3A_206 = arith.muli %parallel_loop3A_204, %parallel_loop3A_205 : i32
      %parallel_loop3A_207 = arith.constant 0 : i32
      %parallel_loop3A_208 = arith.addi %parallel_loop3A_206, %parallel_loop3A_207 : i32
      %parallel_loop3A_209 = arith.index_cast %parallel_loop3A_208 : i32 to index
      %parallel_loop3A_210 = tpu.vector_load %arg7[%parallel_loop3A_209] {strides = array<i32>} : memref<4096xi32, #tpu.memory_space<vmem>>, vector<16xi32>,
      %parallel_loop3A_211 = vector.shape_cast %parallel_loop3A_210 : vector<16xi32> to vector<16xi32>
      %parallel_loop3A_212 = arith.constant 16 : i32
      %parallel_loop3A_213 = vector.broadcast %parallel_loop3A_212 : i32 to vector<16xi32>
      %parallel_loop3A_214 = arith.shli %parallel_loop3A_211, %parallel_loop3A_213 : vector<16xi32>
      %parallel_loop3A_215 = tpu.bitcast %parallel_loop3A_214 : vector<16xi32> -> vector<16xf32>
      %parallel_loop3A_216 = arith.constant -65536 : i32
      %parallel_loop3A_217 = vector.broadcast %parallel_loop3A_216 : i32 to vector<16xi32>
      %parallel_loop3A_218 = arith.andi %parallel_loop3A_211, %parallel_loop3A_217 : vector<16xi32>
      %parallel_loop3A_219 = tpu.bitcast %parallel_loop3A_218 : vector<16xi32> -> vector<16xf32>
      %parallel_loop3A_220 = arith.constant 128 : i32
      %parallel_loop3A_221 = arith.addi %parallel_loop3A_220, %parallel_loop3A_204 : i32
      %parallel_loop3A_222 = arith.index_cast %parallel_loop3A_221 : i32 to index
      %parallel_loop3A_223 = arith.constant 0 : index
      %parallel_loop3A_224 = tpu.vector_load %arg8[%parallel_loop3A_222, %parallel_loop3A_223] {strides = array<i32>} : memref<256x128xf32, #tpu.memory_space<vmem>>, vector<1x16xf32>,
      %parallel_loop3A_225 = vector.shape_cast %parallel_loop3A_224 : vector<1x16xf32> to vector<16xf32>
      %parallel_loop3A_226 = vector.shape_cast %parallel_loop3A_215 : vector<16xf32> to vector<1x16xf32>
      tpu.vector_store %arg8[%parallel_loop3A_222, %parallel_loop3A_223], %parallel_loop3A_226 {add = true, strides = array<i32>} : memref<256x128xf32, #tpu.memory_space<vmem>>, vector<1x16xf32>,
      %parallel_loop3A_227 = arith.constant 128 : i32
      %parallel_loop3A_228 = arith.addi %parallel_loop3A_227, %parallel_loop3A_204 : i32
      %parallel_loop3A_229 = arith.index_cast %parallel_loop3A_228 : i32 to index
      %parallel_loop3A_230 = arith.constant 16 : index
      %parallel_loop3A_231 = tpu.vector_load %arg8[%parallel_loop3A_229, %parallel_loop3A_230] {strides = array<i32>} : memref<256x128xf32, #tpu.memory_space<vmem>>, vector<1x16xf32>,
      %parallel_loop3A_232 = vector.shape_cast %parallel_loop3A_231 : vector<1x16xf32> to vector<16xf32>
      %parallel_loop3A_233 = vector.shape_cast %parallel_loop3A_219 : vector<16xf32> to vector<1x16xf32>
      tpu.vector_store %arg8[%parallel_loop3A_229, %parallel_loop3A_230], %parallel_loop3A_233 {add = true, strides = array<i32>} : memref<256x128xf32, #tpu.memory_space<vmem>>, vector<1x16xf32>,
      %parallel_loop3A_234 = arith.constant 192 : i32
      %parallel_loop3A_235 = arith.addi %parallel_loop3A_234, %parallel_loop3A_204 : i32
      %parallel_loop3A_236 = arith.index_cast %parallel_loop3A_235 : i32 to index
      %parallel_loop3A_237 = arith.constant 0 : index
      %parallel_loop3A_238 = tpu.vector_load %arg8[%parallel_loop3A_236, %parallel_loop3A_237] {strides = array<i32>} : memref<256x128xf32, #tpu.memory_space<vmem>>, vector<1x16xf32>,
      %parallel_loop3A_239 = vector.shape_cast %parallel_loop3A_238 : vector<1x16xf32> to vector<16xf32>
      %parallel_loop3A_240 = vector.shape_cast %parallel_loop3A_215 : vector<16xf32> to vector<1x16xf32>
      tpu.vector_store %arg8[%parallel_loop3A_236, %parallel_loop3A_237], %parallel_loop3A_240 {add = true, strides = array<i32>} : memref<256x128xf32, #tpu.memory_space<vmem>>, vector<1x16xf32>,
      %parallel_loop3A_241 = arith.constant 192 : i32
      %parallel_loop3A_242 = arith.addi %parallel_loop3A_241, %parallel_loop3A_204 : i32
      %parallel_loop3A_243 = arith.index_cast %parallel_loop3A_242 : i32 to index
      %parallel_loop3A_244 = arith.constant 16 : index
      %parallel_loop3A_245 = tpu.vector_load %arg8[%parallel_loop3A_243, %parallel_loop3A_244] {strides = array<i32>} : memref<256x128xf32, #tpu.memory_space<vmem>>, vector<1x16xf32>,
      %parallel_loop3A_246 = vector.shape_cast %parallel_loop3A_245 : vector<1x16xf32> to vector<16xf32>
      %parallel_loop3A_247 = vector.shape_cast %parallel_loop3A_219 : vector<16xf32> to vector<1x16xf32>
      tpu.vector_store %arg8[%parallel_loop3A_243, %parallel_loop3A_244], %parallel_loop3A_247 {add = true, strides = array<i32>} : memref<256x128xf32, #tpu.memory_space<vmem>>, vector<1x16xf32>,
      %parallel_loop3A_248 = arith.constant 64 : i32
      %parallel_loop3A_249 = arith.muli %parallel_loop3A_204, %parallel_loop3A_248 : i32
      %parallel_loop3A_250 = arith.constant 16 : i32
      %parallel_loop3A_251 = arith.addi %parallel_loop3A_249, %parallel_loop3A_250 : i32
      %parallel_loop3A_252 = arith.index_cast %parallel_loop3A_251 : i32 to index
      %parallel_loop3A_253 = tpu.vector_load %arg7[%parallel_loop3A_252] {strides = array<i32>} : memref<4096xi32, #tpu.memory_space<vmem>>, vector<16xi32>,
      %parallel_loop3A_254 = vector.shape_cast %parallel_loop3A_253 : vector<16xi32> to vector<16xi32>
      %parallel_loop3A_255 = arith.constant 16 : i32
      %parallel_loop3A_256 = vector.broadcast %parallel_loop3A_255 : i32 to vector<16xi32>
      %parallel_loop3A_257 = arith.shli %parallel_loop3A_254, %parallel_loop3A_256 : vector<16xi32>
      %parallel_loop3A_258 = tpu.bitcast %parallel_loop3A_257 : vector<16xi32> -> vector<16xf32>
      %parallel_loop3A_259 = arith.constant -65536 : i32
      %parallel_loop3A_260 = vector.broadcast %parallel_loop3A_259 : i32 to vector<16xi32>
      %parallel_loop3A_261 = arith.andi %parallel_loop3A_254, %parallel_loop3A_260 : vector<16xi32>
      %parallel_loop3A_262 = tpu.bitcast %parallel_loop3A_261 : vector<16xi32> -> vector<16xf32>
      %parallel_loop3A_263 = arith.constant 128 : i32
      %parallel_loop3A_264 = arith.addi %parallel_loop3A_263, %parallel_loop3A_204 : i32
      %parallel_loop3A_265 = arith.index_cast %parallel_loop3A_264 : i32 to index
      %parallel_loop3A_266 = arith.constant 32 : index
      %parallel_loop3A_267 = tpu.vector_load %arg8[%parallel_loop3A_265, %parallel_loop3A_266] {strides = array<i32>} : memref<256x128xf32, #tpu.memory_space<vmem>>, vector<1x16xf32>,
      %parallel_loop3A_268 = vector.shape_cast %parallel_loop3A_267 : vector<1x16xf32> to vector<16xf32>
      %parallel_loop3A_269 = vector.shape_cast %parallel_loop3A_258 : vector<16xf32> to vector<1x16xf32>
      tpu.vector_store %arg8[%parallel_loop3A_265, %parallel_loop3A_266], %parallel_loop3A_269 {add = true, strides = array<i32>} : memref<256x128xf32, #tpu.memory_space<vmem>>, vector<1x16xf32>,
      %parallel_loop3A_270 = arith.constant 128 : i32
      %parallel_loop3A_271 = arith.addi %parallel_loop3A_270, %parallel_loop3A_204 : i32
      %parallel_loop3A_272 = arith.index_cast %parallel_loop3A_271 : i32 to index
      %parallel_loop3A_273 = arith.constant 48 : index
      %parallel_loop3A_274 = tpu.vector_load %arg8[%parallel_loop3A_272, %parallel_loop3A_273] {strides = array<i32>} : memref<256x128xf32, #tpu.memory_space<vmem>>, vector<1x16xf32>,
      %parallel_loop3A_275 = vector.shape_cast %parallel_loop3A_274 : vector<1x16xf32> to vector<16xf32>
      %parallel_loop3A_276 = vector.shape_cast %parallel_loop3A_262 : vector<16xf32> to vector<1x16xf32>
      tpu.vector_store %arg8[%parallel_loop3A_272, %parallel_loop3A_273], %parallel_loop3A_276 {add = true, strides = array<i32>} : memref<256x128xf32, #tpu.memory_space<vmem>>, vector<1x16xf32>,
      %parallel_loop3A_277 = arith.constant 192 : i32
      %parallel_loop3A_278 = arith.addi %parallel_loop3A_277, %parallel_loop3A_204 : i32
      %parallel_loop3A_279 = arith.index_cast %parallel_loop3A_278 : i32 to index
      %parallel_loop3A_280 = arith.constant 32 : index
      %parallel_loop3A_281 = tpu.vector_load %arg8[%parallel_loop3A_279, %parallel_loop3A_280] {strides = array<i32>} : memref<256x128xf32, #tpu.memory_space<vmem>>, vector<1x16xf32>,
      %parallel_loop3A_282 = vector.shape_cast %parallel_loop3A_281 : vector<1x16xf32> to vector<16xf32>
      %parallel_loop3A_283 = vector.shape_cast %parallel_loop3A_258 : vector<16xf32> to vector<1x16xf32>
      tpu.vector_store %arg8[%parallel_loop3A_279, %parallel_loop3A_280], %parallel_loop3A_283 {add = true, strides = array<i32>} : memref<256x128xf32, #tpu.memory_space<vmem>>, vector<1x16xf32>,
      %parallel_loop3A_284 = arith.constant 192 : i32
      %parallel_loop3A_285 = arith.addi %parallel_loop3A_284, %parallel_loop3A_204 : i32
      %parallel_loop3A_286 = arith.index_cast %parallel_loop3A_285 : i32 to index
      %parallel_loop3A_287 = arith.constant 48 : index
      %parallel_loop3A_288 = tpu.vector_load %arg8[%parallel_loop3A_286, %parallel_loop3A_287] {strides = array<i32>} : memref<256x128xf32, #tpu.memory_space<vmem>>, vector<1x16xf32>,
      %parallel_loop3A_289 = vector.shape_cast %parallel_loop3A_288 : vector<1x16xf32> to vector<16xf32>
      %parallel_loop3A_290 = vector.shape_cast %parallel_loop3A_262 : vector<16xf32> to vector<1x16xf32>
      tpu.vector_store %arg8[%parallel_loop3A_286, %parallel_loop3A_287], %parallel_loop3A_290 {add = true, strides = array<i32>} : memref<256x128xf32, #tpu.memory_space<vmem>>, vector<1x16xf32>,
      %parallel_loop3A_291 = arith.constant 64 : i32
      %parallel_loop3A_292 = arith.muli %parallel_loop3A_204, %parallel_loop3A_291 : i32
      %parallel_loop3A_293 = arith.constant 32 : i32
      %parallel_loop3A_294 = arith.addi %parallel_loop3A_292, %parallel_loop3A_293 : i32
      %parallel_loop3A_295 = arith.index_cast %parallel_loop3A_294 : i32 to index
      %parallel_loop3A_296 = tpu.vector_load %arg7[%parallel_loop3A_295] {strides = array<i32>} : memref<4096xi32, #tpu.memory_space<vmem>>, vector<16xi32>,
      %parallel_loop3A_297 = vector.shape_cast %parallel_loop3A_296 : vector<16xi32> to vector<16xi32>
      %parallel_loop3A_298 = arith.constant 16 : i32
      %parallel_loop3A_299 = vector.broadcast %parallel_loop3A_298 : i32 to vector<16xi32>
      %parallel_loop3A_300 = arith.shli %parallel_loop3A_297, %parallel_loop3A_299 : vector<16xi32>
      %parallel_loop3A_301 = tpu.bitcast %parallel_loop3A_300 : vector<16xi32> -> vector<16xf32>
      %parallel_loop3A_302 = arith.constant -65536 : i32
      %parallel_loop3A_303 = vector.broadcast %parallel_loop3A_302 : i32 to vector<16xi32>
      %parallel_loop3A_304 = arith.andi %parallel_loop3A_297, %parallel_loop3A_303 : vector<16xi32>
      %parallel_loop3A_305 = tpu.bitcast %parallel_loop3A_304 : vector<16xi32> -> vector<16xf32>
      %parallel_loop3A_306 = arith.constant 128 : i32
      %parallel_loop3A_307 = arith.addi %parallel_loop3A_306, %parallel_loop3A_204 : i32
      %parallel_loop3A_308 = arith.index_cast %parallel_loop3A_307 : i32 to index
      %parallel_loop3A_309 = arith.constant 64 : index
      %parallel_loop3A_310 = tpu.vector_load %arg8[%parallel_loop3A_308, %parallel_loop3A_309] {strides = array<i32>} : memref<256x128xf32, #tpu.memory_space<vmem>>, vector<1x16xf32>,
      %parallel_loop3A_311 = vector.shape_cast %parallel_loop3A_310 : vector<1x16xf32> to vector<16xf32>
      %parallel_loop3A_312 = vector.shape_cast %parallel_loop3A_301 : vector<16xf32> to vector<1x16xf32>
      tpu.vector_store %arg8[%parallel_loop3A_308, %parallel_loop3A_309], %parallel_loop3A_312 {add = true, strides = array<i32>} : memref<256x128xf32, #tpu.memory_space<vmem>>, vector<1x16xf32>,
      %parallel_loop3A_313 = arith.constant 128 : i32
      %parallel_loop3A_314 = arith.addi %parallel_loop3A_313, %parallel_loop3A_204 : i32
      %parallel_loop3A_315 = arith.index_cast %parallel_loop3A_314 : i32 to index
      %parallel_loop3A_316 = arith.constant 80 : index
      %parallel_loop3A_317 = tpu.vector_load %arg8[%parallel_loop3A_315, %parallel_loop3A_316] {strides = array<i32>} : memref<256x128xf32, #tpu.memory_space<vmem>>, vector<1x16xf32>,
      %parallel_loop3A_318 = vector.shape_cast %parallel_loop3A_317 : vector<1x16xf32> to vector<16xf32>
      %parallel_loop3A_319 = vector.shape_cast %parallel_loop3A_305 : vector<16xf32> to vector<1x16xf32>
      tpu.vector_store %arg8[%parallel_loop3A_315, %parallel_loop3A_316], %parallel_loop3A_319 {add = true, strides = array<i32>} : memref<256x128xf32, #tpu.memory_space<vmem>>, vector<1x16xf32>,
      %parallel_loop3A_320 = arith.constant 192 : i32
      %parallel_loop3A_321 = arith.addi %parallel_loop3A_320, %parallel_loop3A_204 : i32
      %parallel_loop3A_322 = arith.index_cast %parallel_loop3A_321 : i32 to index
      %parallel_loop3A_323 = arith.constant 64 : index
      %parallel_loop3A_324 = tpu.vector_load %arg8[%parallel_loop3A_322, %parallel_loop3A_323] {strides = array<i32>} : memref<256x128xf32, #tpu.memory_space<vmem>>, vector<1x16xf32>,
      %parallel_loop3A_325 = vector.shape_cast %parallel_loop3A_324 : vector<1x16xf32> to vector<16xf32>
      %parallel_loop3A_326 = vector.shape_cast %parallel_loop3A_301 : vector<16xf32> to vector<1x16xf32>
      tpu.vector_store %arg8[%parallel_loop3A_322, %parallel_loop3A_323], %parallel_loop3A_326 {add = true, strides = array<i32>} : memref<256x128xf32, #tpu.memory_space<vmem>>, vector<1x16xf32>,
      %parallel_loop3A_327 = arith.constant 192 : i32
      %parallel_loop3A_328 = arith.addi %parallel_loop3A_327, %parallel_loop3A_204 : i32
      %parallel_loop3A_329 = arith.index_cast %parallel_loop3A_328 : i32 to index
      %parallel_loop3A_330 = arith.constant 80 : index
      %parallel_loop3A_331 = tpu.vector_load %arg8[%parallel_loop3A_329, %parallel_loop3A_330] {strides = array<i32>} : memref<256x128xf32, #tpu.memory_space<vmem>>, vector<1x16xf32>,
      %parallel_loop3A_332 = vector.shape_cast %parallel_loop3A_331 : vector<1x16xf32> to vector<16xf32>
      %parallel_loop3A_333 = vector.shape_cast %parallel_loop3A_305 : vector<16xf32> to vector<1x16xf32>
      tpu.vector_store %arg8[%parallel_loop3A_329, %parallel_loop3A_330], %parallel_loop3A_333 {add = true, strides = array<i32>} : memref<256x128xf32, #tpu.memory_space<vmem>>, vector<1x16xf32>,
      %parallel_loop3A_334 = arith.constant 64 : i32
      %parallel_loop3A_335 = arith.muli %parallel_loop3A_204, %parallel_loop3A_334 : i32
      %parallel_loop3A_336 = arith.constant 48 : i32
      %parallel_loop3A_337 = arith.addi %parallel_loop3A_335, %parallel_loop3A_336 : i32
      %parallel_loop3A_338 = arith.index_cast %parallel_loop3A_337 : i32 to index
      %parallel_loop3A_339 = tpu.vector_load %arg7[%parallel_loop3A_338] {strides = array<i32>} : memref<4096xi32, #tpu.memory_space<vmem>>, vector<16xi32>,
      %parallel_loop3A_340 = vector.shape_cast %parallel_loop3A_339 : vector<16xi32> to vector<16xi32>
      %parallel_loop3A_341 = arith.constant 16 : i32
      %parallel_loop3A_342 = vector.broadcast %parallel_loop3A_341 : i32 to vector<16xi32>
      %parallel_loop3A_343 = arith.shli %parallel_loop3A_340, %parallel_loop3A_342 : vector<16xi32>
      %parallel_loop3A_344 = tpu.bitcast %parallel_loop3A_343 : vector<16xi32> -> vector<16xf32>
      %parallel_loop3A_345 = arith.constant -65536 : i32
      %parallel_loop3A_346 = vector.broadcast %parallel_loop3A_345 : i32 to vector<16xi32>
      %parallel_loop3A_347 = arith.andi %parallel_loop3A_340, %parallel_loop3A_346 : vector<16xi32>
      %parallel_loop3A_348 = tpu.bitcast %parallel_loop3A_347 : vector<16xi32> -> vector<16xf32>
      %parallel_loop3A_349 = arith.constant 128 : i32
      %parallel_loop3A_350 = arith.addi %parallel_loop3A_349, %parallel_loop3A_204 : i32
      %parallel_loop3A_351 = arith.index_cast %parallel_loop3A_350 : i32 to index
      %parallel_loop3A_352 = arith.constant 96 : index
      %parallel_loop3A_353 = tpu.vector_load %arg8[%parallel_loop3A_351, %parallel_loop3A_352] {strides = array<i32>} : memref<256x128xf32, #tpu.memory_space<vmem>>, vector<1x16xf32>,
      %parallel_loop3A_354 = vector.shape_cast %parallel_loop3A_353 : vector<1x16xf32> to vector<16xf32>
      %parallel_loop3A_355 = vector.shape_cast %parallel_loop3A_344 : vector<16xf32> to vector<1x16xf32>
      tpu.vector_store %arg8[%parallel_loop3A_351, %parallel_loop3A_352], %parallel_loop3A_355 {add = true, strides = array<i32>} : memref<256x128xf32, #tpu.memory_space<vmem>>, vector<1x16xf32>,
      %parallel_loop3A_356 = arith.constant 128 : i32
      %parallel_loop3A_357 = arith.addi %parallel_loop3A_356, %parallel_loop3A_204 : i32
      %parallel_loop3A_358 = arith.index_cast %parallel_loop3A_357 : i32 to index
      %parallel_loop3A_359 = arith.constant 112 : index
      %parallel_loop3A_360 = tpu.vector_load %arg8[%parallel_loop3A_358, %parallel_loop3A_359] {strides = array<i32>} : memref<256x128xf32, #tpu.memory_space<vmem>>, vector<1x16xf32>,
      %parallel_loop3A_361 = vector.shape_cast %parallel_loop3A_360 : vector<1x16xf32> to vector<16xf32>
      %parallel_loop3A_362 = vector.shape_cast %parallel_loop3A_348 : vector<16xf32> to vector<1x16xf32>
      tpu.vector_store %arg8[%parallel_loop3A_358, %parallel_loop3A_359], %parallel_loop3A_362 {add = true, strides = array<i32>} : memref<256x128xf32, #tpu.memory_space<vmem>>, vector<1x16xf32>,
      %parallel_loop3A_363 = arith.constant 192 : i32
      %parallel_loop3A_364 = arith.addi %parallel_loop3A_363, %parallel_loop3A_204 : i32
      %parallel_loop3A_365 = arith.index_cast %parallel_loop3A_364 : i32 to index
      %parallel_loop3A_366 = arith.constant 96 : index
      %parallel_loop3A_367 = tpu.vector_load %arg8[%parallel_loop3A_365, %parallel_loop3A_366] {strides = array<i32>} : memref<256x128xf32, #tpu.memory_space<vmem>>, vector<1x16xf32>,
      %parallel_loop3A_368 = vector.shape_cast %parallel_loop3A_367 : vector<1x16xf32> to vector<16xf32>
      %parallel_loop3A_369 = vector.shape_cast %parallel_loop3A_344 : vector<16xf32> to vector<1x16xf32>
      tpu.vector_store %arg8[%parallel_loop3A_365, %parallel_loop3A_366], %parallel_loop3A_369 {add = true, strides = array<i32>} : memref<256x128xf32, #tpu.memory_space<vmem>>, vector<1x16xf32>,
      %parallel_loop3A_370 = arith.constant 192 : i32
      %parallel_loop3A_371 = arith.addi %parallel_loop3A_370, %parallel_loop3A_204 : i32
      %parallel_loop3A_372 = arith.index_cast %parallel_loop3A_371 : i32 to index
      %parallel_loop3A_373 = arith.constant 112 : index
      %parallel_loop3A_374 = tpu.vector_load %arg8[%parallel_loop3A_372, %parallel_loop3A_373] {strides = array<i32>} : memref<256x128xf32, #tpu.memory_space<vmem>>, vector<1x16xf32>,
      %parallel_loop3A_375 = vector.shape_cast %parallel_loop3A_374 : vector<1x16xf32> to vector<16xf32>
      %parallel_loop3A_376 = vector.shape_cast %parallel_loop3A_348 : vector<16xf32> to vector<1x16xf32>
      tpu.vector_store %arg8[%parallel_loop3A_372, %parallel_loop3A_373], %parallel_loop3A_376 {add = true, strides = array<i32>} : memref<256x128xf32, #tpu.memory_space<vmem>>, vector<1x16xf32>,
    } {sc.loop_unroll_factor = 2 : i64, sc.parallel_access}
    %add3A_140 = arith.constant 4096 : i32
    %add3A_141 = arith.addi %add3A_140, %mul3A_2 : i32
    %dma_start3A_142 = arith.constant 128 : i32
    %dma_start3A_143 = arith.constant 0 : i32
    %dma_start3A_144 = tpu.memref_slice %arg8[%dma_start3A_142, %dma_start3A_143] : memref<256x128xf32, #tpu.memory_space<vmem>> -> memref<64x128xf32, #tpu.memory_space<vmem>>
    %dma_start3A_145 = arith.constant 0 : i32
    %dma_start3A_146 = tpu.memref_slice %arg5[%add3A_141, %dma_start3A_145] : memref<8192x128xf32, #tpu.memory_space<hbm>> -> memref<64x128xf32, #tpu.memory_space<hbm>>
    %dma_start3A_147 = arith.constant 0 : i32
    %dma_start3A_148 = tpu.memref_slice %arg5[%add3A_141, %dma_start3A_147] : memref<8192x128xf32, #tpu.memory_space<hbm>> -> memref<64x128xf32, #tpu.memory_space<hbm>>
    %dma_start3A_149 = arith.constant 128 : i32
    %dma_start3A_150 = arith.constant 0 : i32
    %dma_start3A_151 = tpu.memref_slice %arg8[%dma_start3A_149, %dma_start3A_150] : memref<256x128xf32, #tpu.memory_space<vmem>> -> memref<64x128xf32, #tpu.memory_space<vmem>>
    tpu.enqueue_dma source(%dma_start3A_151 : memref<64x128xf32, #tpu.memory_space<vmem>>) target(%dma_start3A_148 : memref<64x128xf32, #tpu.memory_space<hbm>>) target_semaphore(%arg18 : memref<!tpu.dma_semaphore, #tpu.memory_space<semaphore_mem>>)
    %add3A_152 = arith.constant 6144 : i32
    %add3A_153 = arith.addi %add3A_152, %mul3A_2 : i32
    %dma_start3A_154 = arith.constant 192 : i32
    %dma_start3A_155 = arith.constant 0 : i32
    %dma_start3A_156 = tpu.memref_slice %arg8[%dma_start3A_154, %dma_start3A_155] : memref<256x128xf32, #tpu.memory_space<vmem>> -> memref<64x128xf32, #tpu.memory_space<vmem>>
    %dma_start3A_157 = arith.constant 0 : i32
    %dma_start3A_158 = tpu.memref_slice %arg5[%add3A_153, %dma_start3A_157] : memref<8192x128xf32, #tpu.memory_space<hbm>> -> memref<64x128xf32, #tpu.memory_space<hbm>>
    %dma_start3A_159 = arith.constant 0 : i32
    %dma_start3A_160 = tpu.memref_slice %arg5[%add3A_153, %dma_start3A_159] : memref<8192x128xf32, #tpu.memory_space<hbm>> -> memref<64x128xf32, #tpu.memory_space<hbm>>
    %dma_start3A_161 = arith.constant 192 : i32
    %dma_start3A_162 = arith.constant 0 : i32
    %dma_start3A_163 = tpu.memref_slice %arg8[%dma_start3A_161, %dma_start3A_162] : memref<256x128xf32, #tpu.memory_space<vmem>> -> memref<64x128xf32, #tpu.memory_space<vmem>>
    tpu.enqueue_dma source(%dma_start3A_163 : memref<64x128xf32, #tpu.memory_space<vmem>>) target(%dma_start3A_160 : memref<64x128xf32, #tpu.memory_space<hbm>>) target_semaphore(%arg18 : memref<!tpu.dma_semaphore, #tpu.memory_space<semaphore_mem>>)
    %dma_wait3A_164 = arith.constant 0 : i32
    %dma_wait3A_165 = arith.constant 0 : i32
    %dma_wait3A_166 = tpu.memref_slice %arg8[%dma_wait3A_164, %dma_wait3A_165] : memref<256x128xf32, #tpu.memory_space<vmem>> -> memref<64x128xf32, #tpu.memory_space<vmem>>
    %dma_wait3A_167 = arith.constant 0 : i32
    %dma_wait3A_168 = tpu.memref_slice %arg5[%add3A_106, %dma_wait3A_167] : memref<8192x128xf32, #tpu.memory_space<hbm>> -> memref<64x128xf32, #tpu.memory_space<hbm>>
    %dma_wait3A_169 = arith.constant 0 : i32
    %dma_wait3A_170 = tpu.memref_slice %arg5[%add3A_106, %dma_wait3A_169] : memref<8192x128xf32, #tpu.memory_space<hbm>> -> memref<64x128xf32, #tpu.memory_space<hbm>>
    %dma_wait3A_171 = arith.constant 0 : i32
    %dma_wait3A_172 = arith.constant 0 : i32
    %dma_wait3A_173 = tpu.memref_slice %arg8[%dma_wait3A_171, %dma_wait3A_172] : memref<256x128xf32, #tpu.memory_space<vmem>> -> memref<64x128xf32, #tpu.memory_space<vmem>>
    tpu.wait_dma2 semaphore(%arg18 : memref<!tpu.dma_semaphore, #tpu.memory_space<semaphore_mem>>) src(%dma_wait3A_173 : memref<64x128xf32, #tpu.memory_space<vmem>>) dst(%dma_wait3A_170 : memref<64x128xf32, #tpu.memory_space<hbm>>)
    %dma_wait3A_174 = arith.constant 64 : i32
    %dma_wait3A_175 = arith.constant 0 : i32
    %dma_wait3A_176 = tpu.memref_slice %arg8[%dma_wait3A_174, %dma_wait3A_175] : memref<256x128xf32, #tpu.memory_space<vmem>> -> memref<64x128xf32, #tpu.memory_space<vmem>>
    %dma_wait3A_177 = arith.constant 0 : i32
    %dma_wait3A_178 = tpu.memref_slice %arg5[%add3A_118, %dma_wait3A_177] : memref<8192x128xf32, #tpu.memory_space<hbm>> -> memref<64x128xf32, #tpu.memory_space<hbm>>
    %dma_wait3A_179 = arith.constant 0 : i32
    %dma_wait3A_180 = tpu.memref_slice %arg5[%add3A_118, %dma_wait3A_179] : memref<8192x128xf32, #tpu.memory_space<hbm>> -> memref<64x128xf32, #tpu.memory_space<hbm>>
    %dma_wait3A_181 = arith.constant 64 : i32
    %dma_wait3A_182 = arith.constant 0 : i32
    %dma_wait3A_183 = tpu.memref_slice %arg8[%dma_wait3A_181, %dma_wait3A_182] : memref<256x128xf32, #tpu.memory_space<vmem>> -> memref<64x128xf32, #tpu.memory_space<vmem>>
    tpu.wait_dma2 semaphore(%arg18 : memref<!tpu.dma_semaphore, #tpu.memory_space<semaphore_mem>>) src(%dma_wait3A_183 : memref<64x128xf32, #tpu.memory_space<vmem>>) dst(%dma_wait3A_180 : memref<64x128xf32, #tpu.memory_space<hbm>>)
    %dma_wait3A_184 = arith.constant 128 : i32
    %dma_wait3A_185 = arith.constant 0 : i32
    %dma_wait3A_186 = tpu.memref_slice %arg8[%dma_wait3A_184, %dma_wait3A_185] : memref<256x128xf32, #tpu.memory_space<vmem>> -> memref<64x128xf32, #tpu.memory_space<vmem>>
    %dma_wait3A_187 = arith.constant 0 : i32
    %dma_wait3A_188 = tpu.memref_slice %arg5[%add3A_141, %dma_wait3A_187] : memref<8192x128xf32, #tpu.memory_space<hbm>> -> memref<64x128xf32, #tpu.memory_space<hbm>>
    %dma_wait3A_189 = arith.constant 0 : i32
    %dma_wait3A_190 = tpu.memref_slice %arg5[%add3A_141, %dma_wait3A_189] : memref<8192x128xf32, #tpu.memory_space<hbm>> -> memref<64x128xf32, #tpu.memory_space<hbm>>
    %dma_wait3A_191 = arith.constant 128 : i32
    %dma_wait3A_192 = arith.constant 0 : i32
    %dma_wait3A_193 = tpu.memref_slice %arg8[%dma_wait3A_191, %dma_wait3A_192] : memref<256x128xf32, #tpu.memory_space<vmem>> -> memref<64x128xf32, #tpu.memory_space<vmem>>
    tpu.wait_dma2 semaphore(%arg18 : memref<!tpu.dma_semaphore, #tpu.memory_space<semaphore_mem>>) src(%dma_wait3A_193 : memref<64x128xf32, #tpu.memory_space<vmem>>) dst(%dma_wait3A_190 : memref<64x128xf32, #tpu.memory_space<hbm>>)
    %dma_wait3A_194 = arith.constant 192 : i32
    %dma_wait3A_195 = arith.constant 0 : i32
    %dma_wait3A_196 = tpu.memref_slice %arg8[%dma_wait3A_194, %dma_wait3A_195] : memref<256x128xf32, #tpu.memory_space<vmem>> -> memref<64x128xf32, #tpu.memory_space<vmem>>
    %dma_wait3A_197 = arith.constant 0 : i32
    %dma_wait3A_198 = tpu.memref_slice %arg5[%add3A_153, %dma_wait3A_197] : memref<8192x128xf32, #tpu.memory_space<hbm>> -> memref<64x128xf32, #tpu.memory_space<hbm>>
    %dma_wait3A_199 = arith.constant 0 : i32
    %dma_wait3A_200 = tpu.memref_slice %arg5[%add3A_153, %dma_wait3A_199] : memref<8192x128xf32, #tpu.memory_space<hbm>> -> memref<64x128xf32, #tpu.memory_space<hbm>>
    %dma_wait3A_201 = arith.constant 192 : i32
    %dma_wait3A_202 = arith.constant 0 : i32
    %dma_wait3A_203 = tpu.memref_slice %arg8[%dma_wait3A_201, %dma_wait3A_202] : memref<256x128xf32, #tpu.memory_space<vmem>> -> memref<64x128xf32, #tpu.memory_space<vmem>>
    tpu.wait_dma2 semaphore(%arg18 : memref<!tpu.dma_semaphore, #tpu.memory_space<semaphore_mem>>) src(%dma_wait3A_203 : memref<64x128xf32, #tpu.memory_space<vmem>>) dst(%dma_wait3A_200 : memref<64x128xf32, #tpu.memory_space<hbm>>)
    return
  }
}

</mosaic_0001>

<sc_bundles>
// kernel: kernel.3.cloned.1.call-start
scs
__scs_entry_jumppad:
0x0: {  	(pc) =	sbr.rel $0x88, $3  }
0x1: {  	(tag) =	ssettag $0x0;
	lr =	simm.s32 $0x1  }
0x2: {  	[smem:$0x3F9F] =	sst lr;
	_ =	strace $0xD0000000  }
0x3: {  	_ = 	snop  }
0x4: {  	_ = 	snop  }
0x5: {  	_ = 	snop  }
0x6: {  	_ = 	snop  }
0x7: {  	_ = 	snop  }
__scs_overlays_trampoline_lowered:
0x8: {  	[smem:$0x3FAE] =	sst s0  }
0x9: {  	[smem:$0x3FAF] =	sst s1  }
0xa: {  	[smem:$0x3FB0] =	sst s2  }
0xb: {  	[smem:$0x3FB1] =	sst s3  }
0xc: {  	[smem:$0x3FB2] =	sst s4  }
0xd: {  	[smem:$0x3FB3] =	sst s5  }
0xe: {  	[smem:$0x3FB4] =	sst s6  }
0xf: {  	[smem:$0x3FB5] =	sst s7  }
0x10: {  	[smem:$0x3FB6] =	sst s8  }
0x11: {  	[smem:$0x3FB7] =	sst s9;
	s0 =	simm.s32 @!p0 $0x0  }
0x12: {  	s1 =	sld [smem:$0x3F9D];
	s0 =	simm.s32 @p0 $0x1  }
0x13: {  	[smem:$0x3FB8] =	sst s0;
	s0 =	simm.s32 @!p1 $0x0  }
0x14: {  	s2 =	sld [smem:$0x3F9C];
	s0 =	simm.s32 @p1 $0x1  }
0x15: {  	[smem:$0x3FB9] =	sst s0;
	s0 =	simm.s32 @!p2 $0x0  }
0x16: {  	s3 =	sld [smem:$0x3FDB];
	s0 =	simm.s32 @p2 $0x1  }
0x17: {  	s4 =	simm.s32 $0x1BF5;
	[smem:$0x3FBB] =	sst s0  }
0x18: {  	s0 =	sld [smem:$0x3F9E];
	_ =	swait.ge [sflag:s4], $0x0  }
0x19: {  	s7 =	sld [smem:$0x3F9F]  }
0x1a: {  	s8 =	sadd.s32 $0xFFFFE003, lr  }
0x1b: {  	s9 =	sadd.s32 $0xFFFFFEF7, lr;
	s5 =	simm.s32 $0xFFFFFFFF;
	p2 =	slt.u32 s8, $0xFFFFF086  }
0x1c: {  	p1 =	slt.u32 s9, $0xF7A;
	s5 =	simm.s32 @!p2 $0x0  }
0x1d: {  	s5 =	simm.s32 @p1 $0x1;
	p0 =	seq.s32 s7, s2  }
0x1e: {  	s7 =	smul.u32 @!p0 $0xF7A, s2;
	p2 =	seq.s32 @!p0 s5, $0x0  }
0x1f: {  	s9 =	smul.u32 $0xF7A, s1;
	s8 =	simm.s32 @!p0 $0x1BF5;
	p2 =	por !p2, p0  }
0x20: {  	[sflag:s8] =	ssyncset.s32 @!p0 $0xFFFFF086;
	s6 =	sadd.s32 @!p0 s3, s7;
	s7 =	simm.s32 @!p0 $0x108  }
0x21: {  	s3 =	sadd.s32 s3, s9;
	s6 =	sadd.s32 @!p0 $0x88, s6;
	s7 =	simm.s32 @p2 $0x1082  }
0x22: {  	[simem:s7], [sflag:s8] =	dma.local @!p0 [hbm:s6], $0xF7A  }
0x23: {  	s9 =	sor.u32 $0xD0000000, s2;
	s6 =	simm.s32 $0x108;
	_ =	swait.ge @!p0 [sflag:s8], $0x0  }
0x24: {  	s3 =	sadd.s32 $0x88, s3;
	s6 =	simm.s32 @!p1 $0x1082;
	[sflag:s4] =	ssyncset.s32 $0xFFFFF086  }
0x25: {  	[simem:s6], [sflag:s4] =	dma.local [hbm:s3], $0xF7A  }
0x26: {  	[smem:$0x3F9F] =	sst s1;
	(tag) =	ssettag s2;
	_ =	strace s9  }
0x27: {  	s1 =	sld [smem:$0x3FAF]  }
0x28: {  	s2 =	sld [smem:$0x3FB0]  }
0x29: {  	s4 =	sld [smem:$0x3FB2]  }
0x2a: {  	p0 =	seq.s32 s5, $0x0;
	s5 =	sld [smem:$0x3FB3]  }
0x2b: {  	s6 =	sld [smem:$0x3FB4]  }
0x2c: {  	s7 =	sld [smem:$0x3FB5]  }
0x2d: {  	s3 =	simm.s32 $0x108;
	s8 =	sld [smem:$0x3FB6]  }
0x2e: {  	s3 =	simm.s32 @!p0 $0x1082;
	s9 =	sld [smem:$0x3FB7]  }
0x2f: {  	lr =	sadd.s32 s0, s3;
	s0 =	sld [smem:$0x3FAE]  }
0x30: {  	s3 =	sld [smem:$0x3FB1]  }
0x31: {  	[smem:$0x3FBA] =	sst s10  }
0x32: {  	s10 =	sld [smem:$0x3FB8];
	_ =	sdelay $0x3  }
0x33: {  	p0 =	seq.s32 s10, $0x1;
	s10 =	sld [smem:$0x3FBA];
	_ =	sdelay $0x3  }
0x34: {  	[smem:$0x3FBA] =	sst s10  }
0x35: {  	s10 =	sld [smem:$0x3FB9];
	_ =	sdelay $0x3  }
0x36: {  	p1 =	seq.s32 s10, $0x1;
	s10 =	sld [smem:$0x3FBA];
	_ =	sdelay $0x3  }
0x37: {  	[smem:$0x3FBA] =	sst s10  }
0x38: {  	s10 =	sld [smem:$0x3FBB]  }
0x39: {  	_ = 	snop;
	(pc) =	sbr.ind lr, $3  }
0x3a: {  	_ = 	snop  }
0x3b: {  	_ = 	snop  }
0x3c: {  	p2 =	seq.s32 s10, $0x1;
	s10 =	sld [smem:$0x3FBA]  }
0x3d: {  	_ =	shalt  }
0x3e: {  	_ =	shalt  }
0x3f: {  	_ =	shalt  }
0x40: {  	_ =	shalt  }
0x41: {  	_ =	shalt  }
0x42: {  	_ =	shalt  }
0x43: {  	_ =	shalt  }
0x44: {  	_ =	shalt  }
0x45: {  	_ =	shalt  }
0x46: {  	_ =	shalt  }
0x47: {  	_ =	shalt  }
0x48: {  	_ =	shalt  }
0x49: {  	_ =	shalt  }
0x4a: {  	_ =	shalt  }
0x4b: {  	_ =	shalt  }
0x4c: {  	_ =	shalt  }
0x4d: {  	_ =	shalt  }
0x4e: {  	_ =	shalt  }
0x4f: {  	_ =	shalt  }
0x50: {  	_ =	shalt  }
0x51: {  	_ =	shalt  }
0x52: {  	_ =	shalt  }
0x53: {  	_ =	shalt  }
0x54: {  	_ =	shalt  }
0x55: {  	_ =	shalt  }
0x56: {  	_ =	shalt  }
0x57: {  	_ =	shalt  }
0x58: {  	_ =	shalt  }
0x59: {  	_ =	shalt  }
0x5a: {  	_ =	shalt  }
0x5b: {  	_ =	shalt  }
0x5c: {  	_ =	shalt  }
0x5d: {  	_ =	shalt  }
0x5e: {  	_ =	shalt  }
0x5f: {  	_ =	shalt  }
0x60: {  	_ =	shalt  }
0x61: {  	_ =	shalt  }
0x62: {  	_ =	shalt  }
0x63: {  	_ =	shalt  }
0x64: {  	_ =	shalt  }
0x65: {  	_ =	shalt  }
0x66: {  	_ =	shalt  }
0x67: {  	_ =	shalt  }
0x68: {  	_ =	shalt  }
0x69: {  	_ =	shalt  }
0x6a: {  	_ =	shalt  }
0x6b: {  	_ =	shalt  }
0x6c: {  	_ =	shalt  }
0x6d: {  	_ =	shalt  }
0x6e: {  	_ =	shalt  }
0x6f: {  	_ =	shalt  }
0x70: {  	_ =	shalt  }
0x71: {  	_ =	shalt  }
0x72: {  	_ =	shalt  }
0x73: {  	_ =	shalt  }
0x74: {  	_ =	shalt  }
0x75: {  	_ =	shalt  }
0x76: {  	_ =	shalt  }
0x77: {  	_ =	shalt  }
0x78: {  	_ =	shalt  }
0x79: {  	_ =	shalt  }
0x7a: {  	_ =	shalt  }
0x7b: {  	_ =	shalt  }
0x7c: {  	_ =	shalt  }
0x7d: {  	_ =	shalt  }
0x7e: {  	_ =	shalt  }
0x7f: {  	_ =	shalt  }
0x80: {  	_ =	shalt  }
0x81: {  	_ =	shalt  }
0x82: {  	_ =	shalt  }
0x83: {  	_ =	shalt  }
0x84: {  	_ =	shalt  }
0x85: {  	_ =	shalt  }
0x86: {  	_ =	shalt  }
0x87: {  	_ =	shalt  }
.Lfunc_end0:
.L_simem_size_0:
called_computation_lowered:
.L_overlay_start_0:
0x88: {  	s2 =	sld [smem:$0x3FD9]  }
0x89: {  	s3 =	sld [smem:$0x3FFE];
	_ =	sdelay $0x1  }
0x8a: {  	s1 =	srdreg.scid  }
0x8b: {  	s0 =	sand.u32 $0x1, s1  }
0x8c: {  	s17 =	sshll.u32 s0, $0xA;
	s2 =	sadd.s32 s3, s2  }
0x8d: {  	s2 =	sadd.s32 s2, s17  }
0x8e: {  	[smem:$0x3FC6] =	sst s2  }
0x8f: {  	_ = 	snop  }
0x90: {  	s2 =	sld [smem:$0x3FC9]  }
0x91: {  	s18 =	sld [smem:$0x3FC8]  }
0x92: {  	s4 =	sld [smem:$0x3FD0];
	(tm) =	ssettm $0x1  }
0x93: {  	s5 =	sld [smem:$0x3FFB];
	_ =	sdelay $0x3  }
0x94: {  	_ =	strace s5  }
0x95: {  	s5 =	sld [smem:$0x3FFC];
	_ =	sdelay $0x3  }
0x96: {  	_ =	strace s5  }
0x97: {  	s5 =	sld [smem:$0x3FFD];
	_ =	sdelay $0x3  }
0x98: {  	_ =	strace s5  }
0x99: {  	_ =	strace $0x8FFFFFFF  }
0x9a: {  	s19 =	sld [smem:$0x3FDB];
	_ =	sdelay $0x1  }
0x9b: {  	s6 =	simm.s32 $_scs_section_size  }
0x9c: {  	s7 =	simm.s32 $_size__tile_overlayer_lowered;
	s8 =	simm.s32 $_tile_overlayer_lowered  }
0x9d: {  	s22 =	simm.s32 $0x1BFF;
	s21 =	sshll.u32 s8, $0x1;
	s5 =	sadd.s32 s6, s19  }
0x9e: {  	s9 =	simm.s32 $0x0;
	s20 =	sshll.u32 s7, $0x1;
	s7 =	sadd.s32 s21, s5  }
0x9f: {  	[timem:s9], [sflag:s22] =	dma.local [hbm:s7], s20  }
0xa0: {  	_ =	swait.ge [sflag:s22], s20  }
0xa1: {  	s6 =	ssub.s32 $0x0, s20;
	[sflag:s22] =	ssyncset.done $0x0  }
0xa2: {  	[sflag:s22] =	ssyncadd.s32 s6;
	_ =	sdelay $0x1  }
0xa3: {  	s23 =	simm.s32 $0x1B8B  }
0xa4: {  	_ =	swait.ge [sflag:s23], $0x1  }
0xa5: {  	[sflag:s23] =	ssyncset.done $0x0  }
0xa6: {  	s25 =	simm.s32 $0x1B8E;
	s24 =	sld [smem:$0x3FFE];
	[sflag:s23] =	ssyncadd.s32 $0xFFFFFFFF  }
0xa7: {  	s26 =	simm.s32 $execute0_lowered;
	[smem:$0x3FD2] =	sst s25  }
0xa8: {  	s7 =	sshll.u32 s26, $0x1;
	_ =	strace $0x80000046;
	[dreg:$0x1] =	wrdreg $0xFFFFFFFF  }
0xa9: {  	s28 =	simm.s32 $_size_execute0_lowered;
	s5 =	sadd.s32 s5, s7;
	[dreg:$0x0] =	wrdreg $0x0  }
0xaa: {  	s7 =	sshll.u32 s28, $0x1;
	[dreg:$0x2] =	wrdreg s5  }
0xab: {  	[dreg:$0x3] =	wrdreg s7  }
0xac: {  	[dreg:$0x4] =	wrdreg $0xC0  }
0xad: {  	_ =	task [dreg:s9], $0x5FFFF  }
0xae: {  	[dreg:$0x1] =	wrdreg $0xFFFFFFFF  }
0xaf: {  	[dreg:$0x0] =	wrdreg $0x60  }
0xb0: {  	[dreg:$0x2] =	wrdreg s2  }
0xb1: {  	[dreg:$0x3] =	wrdreg s18  }
0xb2: {  	[dreg:$0x4] =	wrdreg s24  }
0xb3: {  	[dreg:$0x5] =	wrdreg s4  }
0xb4: {  	[dreg:$0x6] =	wrdreg $0x9  }
0xb5: {  	_ =	task.clear_ibuf [dreg:s9], $0x7FFFF;
	_ =	strace $0x90000046  }
0xb6: {  	s29 =	simm.s32 $0x9;
	_ =	strace $0x80000048  }
0xb7: {  	_ =	swait.ge [sflag:s29], $0x1  }
0xb8: {  	[sflag:s29] =	ssyncadd.s32 $0xFFFFFFFF  }
0xb9: {  	_ =	strace $0x90000048  }
0xba: {  	_ =	sfence  }
0xbb: {  	s30 =	sld [smem:$0x0];
	_ =	sdelay $0x2  }
0xbc: {  	s31 =	sshll.u32 s1, $0xD;
	s1 =	sshrl.u32 s1, $0x2  }
0xbd: {  	s3 =	sand.u32 $0x4000, s31;
	s1 =	sadd.s32 s1, s30  }
0xbe: {  	s0 =	sor.u32 s3, s0;
	s1 =	sshll.u32 s1, $0x11  }
0xbf: {  	s0 =	sor.u32 s1, s0  }
0xc0: {  	s0 =	sadd.s32 $0x8F2B, s0  }
0xc1: {  	[sflag:s0] =	ssyncadd.remote.s32 $0x1  }
0xc2: {  	_ =	sfence.sel $0xFFFF  }
0xc3: {  	[dreg:$0x0] =	wrdreg $0xFFFFFFFF;
	(pc) =	sbr.abs _section_cstart, $3  }
0xc4: {  	[dreg:$0x1] =	wrdreg $0xFFFFFFFF  }
0xc5: {  	_ =	task.clear_ibuf [dreg:s9], $0x2FFFF;
	_ =	strace $0x9FFFFFFF  }
0xc6: {  	(tm) =	ssettm $0x7FFFFFFF  }
0xc7: {  	_ =	shalt  }
tec
execute0_lowered:
.L_overlay_start_1:
0x0: {  	(tag) =	ssettag $0x1  }
0x1: {  	s0 =	rddreg [dreg:$0x0]  }
0x2: {  	s1 =	rddreg [dreg:$0x1]  }
0x3: {  	s2 =	srdreg.scid;
	s4 =	rddreg [dreg:$0x2]  }
0x4: {  	s3 =	stileid.u32;
	s8 =	rddreg [dreg:$0x3]  }
0x5: {  	s14 =	simm.s32 $0x80;
	s17 =	simm.s32 $0x3;
	s18 =	simm.s32 $0x4  }
0x6: {  	s19 =	simm.s32 $0x5;
	s20 =	simm.s32 $0x6;
	s21 =	simm.s32 $0x5100  }
0x7: {  	s22 =	simm.s32 $0x7;
	s23 =	simm.s32 $0x1;
	s24 =	simm.s32 $0x1100  }
0x8: {  	s28 =	simm.s32 $0x7100;
	s2 =	sand.u32 $0x1, s2;
	s3 =	sshll.u32 s3, $0x1  }
0x9: {  	s29 =	simm.s32 $0x8;
	s30 =	simm.s32 $0x0;
	s6 =	sor.u32 s2, s3  }
0xa: {  	s3 =	simm.s32 $0x0;
	s7 =	sshll.u32 s2, $0x6;
	s2 =	ssub.s32 $0x2, s2  }
0xb: {  	s5 =	sshll.u32 s6, $0x8;
	[smem:$0x7FF] =	sst s3;
	s10 =	sshll.u32 s6, $0x9  }
0xc: {  	s26 =	sshrl.u32 s2, $0x1;
	s11 =	sshll.u32 s6, $0xA;
	s9 =	sand.u32 $0x1E00, s5  }
0xd: {  	_ =	strace $0x80000047;
	s10 =	sadd.s32 s10, s4;
	s2 =	ssub.s32 s2, s26  }
0xe: {  	s8 =	sadd.s32 s8, s11;
	s26 =	simm.s32 $0x2;
	s9 =	sor.u32 s7, s9  }
0xf: {  	s7 =	sor.u32 s7, s5;
	s11 =	sadd.s32 $0x10000, s8;
	s12 =	sadd.s32 $0x18000, s8  }
0x10: {  	s13 =	smax.u32 s2, $0x1;
	s25 =	sshrl.u32 s9, $0x3;
	s7 =	sshrl.u32 s7, $0x3  }
0x11: {  	s9 =	sadd.s32 $0x400, s10;
	s10 =	sadd.s32 $0x8000, s8;
	s4 =	sadd.s32 s0, s25  }
0x12: {  	s31 =	sor.u32 $0x20, s7;
	s7 =	sor.u32 $0x30, s7;
	s25 =	simm.s32 $0x3100  }
0x13: {  	s5 =	sadd.s32 $0x10, s4;
	s6 =	sadd.s32 s0, s31;
	s7 =	sadd.s32 s0, s7  }
.LBB2_1:
0x14: {  	[tilespmem:s3], [sflag:$0x3] =	stream.linear.gather [hbm4b:s4+s3], $0x40, $0x38;
	[tilespmem:$0x9100] =	vst v63  }
0x15: {  	s31 =	simm.s32 $0x40  }
0x16: {  	[tilespmem:s31], [sflag:$0x4] =	stream.linear.gather [hbm4b:s5+s3], $0x40, $0x38;
	[tilespmem:$0x9100] =	vst v63  }
0x17: {  	_ = 	snop  }
0x18: {  	[tilespmem:s14], [sflag:$0x5] =	stream.linear.gather [hbm4b:s6+s3], $0x40, $0x38;
	[tilespmem:$0x9100] =	vst v63  }
0x19: {  	s0 =	simm.s32 $0xC0  }
0x1a: {  	[tilespmem:s0], [sflag:$0x6] =	stream.linear.gather [hbm4b:s7+s3], $0x40, $0x38;
	[tilespmem:$0x9100] =	vst v63  }
0x1b: {  	s2 =	simm.s32 $0x100  }
0x1c: {  	[tilespmem:s2], [sflag:$0x7] =	stream.linear.gather [hbm4b:s9+s3], $0x1000, $0x38;
	[tilespmem:$0x9100] =	vst v63  }
0x1d: {  	_ =	swait.ge [sflag:s17], $0x40  }
0x1e: {  	[sflag:s17] =	ssyncset.done $0x0  }
0x1f: {  	[sflag:s17] =	ssyncadd.s32 $0xFFFFFFC0  }
0x20: {  	_ =	swait.ge [sflag:s18], $0x40  }
0x21: {  	[sflag:s18] =	ssyncset.done $0x0  }
0x22: {  	[sflag:s18] =	ssyncadd.s32 $0xFFFFFFC0  }
0x23: {  	[tilespmem:s24], [sflag:$0x1] =	stream.indirect.gather [hbm4b:s1+s14], $0x80, s3, s14, $0xb8;
	[tilespmem:$0x9100] =	vst v63  }
0x24: {  	_ =	swait.ge [sflag:s19], $0x40  }
0x25: {  	[sflag:s19] =	ssyncset.done $0x0  }
0x26: {  	[sflag:s19] =	ssyncadd.s32 $0xFFFFFFC0  }
0x27: {  	_ =	swait.ge [sflag:s20], $0x40  }
0x28: {  	[sflag:s20] =	ssyncset.done $0x0  }
0x29: {  	[sflag:s20] =	ssyncadd.s32 $0xFFFFFFC0  }
0x2a: {  	[tilespmem:s21], [sflag:$0x2] =	stream.indirect.gather [hbm4b:s1+s14], $0x80, s14, s14, $0xb8;
	[tilespmem:$0x9100] =	vst v63  }
0x2b: {  	_ =	swait.ge [sflag:s22], $0x1000  }
0x2c: {  	[sflag:s22] =	ssyncset.done $0x0  }
0x2d: {  	[sflag:s22] =	ssyncadd.s32 $0xFFFFF000  }
0x2e: {  	_ =	swait.ge [sflag:s23], $0x4000  }
0x2f: {  	[sflag:s23] =	ssyncset.done $0x0  }
0x30: {  	s0 =	simm.s32 $0x120;
	[sflag:s23] =	ssyncadd.s32 $0xFFFFC000  }
0x31: {  	v0 =	vld [tilespmem:s0+$0x20];
	_ =	sdelay $0x4  }
0x32: {  	v1 =	vld [tilespmem:s0+$0xFFFFFFE0];
	v2 =	vshll.u32 v0, $0x10  }
0x33: {  	v0 =	vand.u32 $0xFFFF0000, v0;
	[tilespmem:s24+$0x80] =	vst.add.f32.msk $0xffff, v2  }
0x34: {  	[tilespmem:s24+$0x90] =	vst.add.f32.msk $0xffff, v0  }
0x35: {  	[tilespmem:s24+$0x2080] =	vst.add.f32.msk $0xffff, v2  }
0x36: {  	s2 =	sor.u32 $0x50, s31;
	[tilespmem:s24+$0x2090] =	vst.add.f32.msk $0xffff, v0  }
0x37: {  	v0 =	vshll.u32 v1, $0x10;
	v2 =	vld [tilespmem:s2+$0x100]  }
0x38: {  	v1 =	vand.u32 $0xFFFF0000, v1;
	[tilespmem:s24+$0x0] =	vst.add.f32.msk $0xffff, v0  }
0x39: {  	[tilespmem:s24+$0x10] =	vst.add.f32.msk $0xffff, v1  }
0x3a: {  	[tilespmem:s24+$0x2000] =	vst.add.f32.msk $0xffff, v0  }
0x3b: {  	[tilespmem:s24+$0x2010] =	vst.add.f32.msk $0xffff, v1  }
0x3c: {  	v0 =	vld [tilespmem:s0+$0xFFFFFFF0];
	v1 =	vshll.u32 v2, $0x10  }
0x3d: {  	v2 =	vand.u32 $0xFFFF0000, v2;
	[tilespmem:s24+$0xA0] =	vst.add.f32.msk $0xffff, v1  }
0x3e: {  	[tilespmem:s24+$0xB0] =	vst.add.f32.msk $0xffff, v2  }
0x3f: {  	[tilespmem:s24+$0x20A0] =	vst.add.f32.msk $0xffff, v1  }
0x40: {  	s15 =	sor.u32 $0x60, s31;
	[tilespmem:s24+$0x20B0] =	vst.add.f32.msk $0xffff, v2  }
0x41: {  	v1 =	vshll.u32 v0, $0x10;
	v2 =	vld [tilespmem:s15+$0x100]  }
0x42: {  	v0 =	vand.u32 $0xFFFF0000, v0;
	[tilespmem:s24+$0x20] =	vst.add.f32.msk $0xffff, v1  }
0x43: {  	[tilespmem:s24+$0x30] =	vst.add.f32.msk $0xffff, v0  }
0x44: {  	[tilespmem:s24+$0x2020] =	vst.add.f32.msk $0xffff, v1  }
0x45: {  	[tilespmem:s24+$0x2030] =	vst.add.f32.msk $0xffff, v0  }
0x46: {  	v0 =	vld [tilespmem:s0+$0x0];
	v1 =	vshll.u32 v2, $0x10  }
0x47: {  	v2 =	vand.u32 $0xFFFF0000, v2;
	[tilespmem:s24+$0xC0] =	vst.add.f32.msk $0xffff, v1  }
0x48: {  	[tilespmem:s24+$0xD0] =	vst.add.f32.msk $0xffff, v2  }
0x49: {  	[tilespmem:s24+$0x20C0] =	vst.add.f32.msk $0xffff, v1  }
0x4a: {  	s16 =	sor.u32 $0x70, s31;
	[tilespmem:s24+$0x20D0] =	vst.add.f32.msk $0xffff, v2  }
0x4b: {  	v1 =	vshll.u32 v0, $0x10;
	v2 =	vld [tilespmem:s16+$0x100]  }
0x4c: {  	v0 =	vand.u32 $0xFFFF0000, v0;
	[tilespmem:s24+$0x40] =	vst.add.f32.msk $0xffff, v1  }
0x4d: {  	[tilespmem:s24+$0x50] =	vst.add.f32.msk $0xffff, v0  }
0x4e: {  	[tilespmem:s24+$0x2040] =	vst.add.f32.msk $0xffff, v1  }
0x4f: {  	[tilespmem:s24+$0x2050] =	vst.add.f32.msk $0xffff, v0  }
0x50: {  	v0 =	vld [tilespmem:s0+$0x10];
	v1 =	vand.u32 $0xFFFF0000, v2  }
0x51: {  	v2 =	vshll.u32 v2, $0x10;
	[tilespmem:s24+$0x20F0] =	vst.add.f32.msk $0xffff, v1  }
0x52: {  	[tilespmem:s24+$0xE0] =	vst.add.f32.msk $0xffff, v2  }
0x53: {  	[tilespmem:s24+$0xF0] =	vst.add.f32.msk $0xffff, v1  }
0x54: {  	s2 =	simm.s32 $0x1100;
	s15 =	simm.s32 $0x1A0;
	s0 =	simm.s32 $0x0;
	[tilespmem:s24+$0x20E0] =	vst.add.f32.msk $0xffff, v2  }
.LBB2_2:
0x55: {  	v1 =	vld [tilespmem:s15+$0x20];
	v2 =	vshll.u32 v0, $0x10;
	v0 =	vand.u32 $0xFFFF0000, v0  }
0x56: {  	v3 =	vld [tilespmem:s15+$0xFFFFFFE0]  }
0x57: {  	[tilespmem:s2+$0x60] =	vst.add.f32.msk $0xffff, v2  }
0x58: {  	[tilespmem:s2+$0x70] =	vst.add.f32.msk $0xffff, v0  }
0x59: {  	[tilespmem:s2+$0x2060] =	vst.add.f32.msk $0xffff, v2  }
0x5a: {  	v2 =	vshll.u32 v1, $0x10;
	[tilespmem:s2+$0x2070] =	vst.add.f32.msk $0xffff, v0;
	s2 =	sadd.s32 $0x100, s2  }
0x5b: {  	v1 =	vand.u32 $0xFFFF0000, v1;
	v0 =	vshll.u32 v3, $0x10;
	v3 =	vand.u32 $0xFFFF0000, v3;
	[tilespmem:s2+$0x80] =	vst.add.f32.msk $0xffff, v2  }
0x5c: {  	[tilespmem:s2+$0x90] =	vst.add.f32.msk $0xffff, v1  }
0x5d: {  	s31 =	sadd.s32 $0x80, s31;
	[tilespmem:s2+$0x2080] =	vst.add.f32.msk $0xffff, v2  }
0x5e: {  	s0 =	sadd.s32 $0x2, s0;
	s16 =	sor.u32 $0x50, s31;
	[tilespmem:s2+$0x2090] =	vst.add.f32.msk $0xffff, v1  }
0x5f: {  	p0 =	slt.u32 s0, $0x3E;
	v1 =	vld [tilespmem:s16+$0x100]  }
0x60: {  	[tilespmem:s2+$0x0] =	vst.add.f32.msk $0xffff, v0  }
0x61: {  	[tilespmem:s2+$0x10] =	vst.add.f32.msk $0xffff, v3  }
0x62: {  	[tilespmem:s2+$0x2000] =	vst.add.f32.msk $0xffff, v0  }
0x63: {  	[tilespmem:s2+$0x2010] =	vst.add.f32.msk $0xffff, v3  }
0x64: {  	v0 =	vld [tilespmem:s15+$0xFFFFFFF0];
	v2 =	vshll.u32 v1, $0x10  }
0x65: {  	v1 =	vand.u32 $0xFFFF0000, v1;
	[tilespmem:s2+$0xA0] =	vst.add.f32.msk $0xffff, v2  }
0x66: {  	[tilespmem:s2+$0xB0] =	vst.add.f32.msk $0xffff, v1  }
0x67: {  	[tilespmem:s2+$0x20A0] =	vst.add.f32.msk $0xffff, v2  }
0x68: {  	s16 =	sor.u32 $0x60, s31;
	[tilespmem:s2+$0x20B0] =	vst.add.f32.msk $0xffff, v1  }
0x69: {  	v1 =	vshll.u32 v0, $0x10;
	v0 =	vand.u32 $0xFFFF0000, v0;
	v2 =	vld [tilespmem:s16+$0x100]  }
0x6a: {  	[tilespmem:s2+$0x20] =	vst.add.f32.msk $0xffff, v1  }
0x6b: {  	[tilespmem:s2+$0x30] =	vst.add.f32.msk $0xffff, v0  }
0x6c: {  	[tilespmem:s2+$0x2020] =	vst.add.f32.msk $0xffff, v1  }
0x6d: {  	[tilespmem:s2+$0x2030] =	vst.add.f32.msk $0xffff, v0  }
0x6e: {  	v0 =	vld [tilespmem:s15+$0x0];
	v1 =	vshll.u32 v2, $0x10  }
0x6f: {  	v2 =	vand.u32 $0xFFFF0000, v2;
	[tilespmem:s2+$0xC0] =	vst.add.f32.msk $0xffff, v1  }
0x70: {  	[tilespmem:s2+$0xD0] =	vst.add.f32.msk $0xffff, v2  }
0x71: {  	[tilespmem:s2+$0x20C0] =	vst.add.f32.msk $0xffff, v1  }
0x72: {  	s16 =	sor.u32 $0x70, s31;
	[tilespmem:s2+$0x20D0] =	vst.add.f32.msk $0xffff, v2  }
0x73: {  	v1 =	vshll.u32 v0, $0x10;
	v0 =	vand.u32 $0xFFFF0000, v0;
	v2 =	vld [tilespmem:s16+$0x100]  }
0x74: {  	[tilespmem:s2+$0x40] =	vst.add.f32.msk $0xffff, v1  }
0x75: {  	[tilespmem:s2+$0x50] =	vst.add.f32.msk $0xffff, v0  }
0x76: {  	[tilespmem:s2+$0x2040] =	vst.add.f32.msk $0xffff, v1  }
0x77: {  	[tilespmem:s2+$0x2050] =	vst.add.f32.msk $0xffff, v0  }
.Ltmp0:
0x78: {  	v0 =	vld [tilespmem:s15+$0x10];
	v1 =	vshll.u32 v2, $0x10;
	v2 =	vand.u32 $0xFFFF0000, v2;
	(pc) =	sbr.rel @p0 .LBB2_2-.Ltmp0, $4  }
0x79: {  	[tilespmem:s2+$0x20F0] =	vst.add.f32.msk $0xffff, v2  }
0x7a: {  	[tilespmem:s2+$0xE0] =	vst.add.f32.msk $0xffff, v1  }
0x7b: {  	[tilespmem:s2+$0xF0] =	vst.add.f32.msk $0xffff, v2  }
0x7c: {  	s15 =	sadd.s32 $0x80, s15;
	[tilespmem:s2+$0x20E0] =	vst.add.f32.msk $0xffff, v1  }
0x7d: {  	v1 =	vshll.u32 v0, $0x10  }
0x7e: {  	v0 =	vand.u32 $0xFFFF0000, v0;
	[tilespmem:s2+$0x60] =	vst.add.f32.msk $0xffff, v1  }
0x7f: {  	[tilespmem:s2+$0x70] =	vst.add.f32.msk $0xffff, v0  }
0x80: {  	[tilespmem:s2+$0x2060] =	vst.add.f32.msk $0xffff, v1  }
0x81: {  	[tilespmem:s2+$0x2070] =	vst.add.f32.msk $0xffff, v0  }
0x82: {  	[hbm4b:s8+s3] =	stream.linear.scatter [tilespmem:s24], [sflag:$0x8], $0x2000, $0x38;
	[tilespmem:$0x9100] =	vst v63  }
0x83: {  	_ = 	snop  }
0x84: {  	[hbm4b:s10+s3] =	stream.linear.scatter [tilespmem:s25], [sflag:$0x8], $0x2000, $0x38;
	[tilespmem:$0x9100] =	vst v63  }
0x85: {  	_ =	swait.ge [sflag:s26], $0x4000  }
0x86: {  	[sflag:s26] =	ssyncset.done $0x0  }
0x87: {  	s0 =	simm.s32 $0x140;
	[sflag:s26] =	ssyncadd.s32 $0xFFFFC000  }
0x88: {  	v0 =	vld [tilespmem:s0+$0x0];
	_ =	sdelay $0x4  }
0x89: {  	s31 =	simm.s32 $0x5100;
	v1 =	vld [tilespmem:s0+$0xFFFFFFC0];
	v2 =	vshll.u32 v0, $0x10  }
0x8a: {  	v0 =	vand.u32 $0xFFFF0000, v0;
	[tilespmem:s31+$0x80] =	vst.add.f32.msk $0xffff, v2  }
0x8b: {  	[tilespmem:s31+$0x90] =	vst.add.f32.msk $0xffff, v0  }
0x8c: {  	[tilespmem:s31+$0x2080] =	vst.add.f32.msk $0xffff, v2  }
0x8d: {  	[tilespmem:s31+$0x2090] =	vst.add.f32.msk $0xffff, v0  }
0x8e: {  	v0 =	vshll.u32 v1, $0x10;
	v2 =	vld [tilespmem:s0+$0x10]  }
0x8f: {  	v1 =	vand.u32 $0xFFFF0000, v1;
	[tilespmem:s31+$0x0] =	vst.add.f32.msk $0xffff, v0  }
0x90: {  	[tilespmem:s31+$0x10] =	vst.add.f32.msk $0xffff, v1  }
0x91: {  	[tilespmem:s31+$0x2000] =	vst.add.f32.msk $0xffff, v0  }
0x92: {  	[tilespmem:s31+$0x2010] =	vst.add.f32.msk $0xffff, v1  }
0x93: {  	v0 =	vld [tilespmem:s0+$0xFFFFFFD0];
	v1 =	vshll.u32 v2, $0x10  }
0x94: {  	v2 =	vand.u32 $0xFFFF0000, v2;
	[tilespmem:s31+$0xA0] =	vst.add.f32.msk $0xffff, v1  }
0x95: {  	[tilespmem:s31+$0xB0] =	vst.add.f32.msk $0xffff, v2  }
0x96: {  	[tilespmem:s31+$0x20A0] =	vst.add.f32.msk $0xffff, v1  }
0x97: {  	[tilespmem:s31+$0x20B0] =	vst.add.f32.msk $0xffff, v2  }
0x98: {  	v1 =	vshll.u32 v0, $0x10;
	v2 =	vld [tilespmem:s0+$0x20]  }
0x99: {  	v0 =	vand.u32 $0xFFFF0000, v0;
	[tilespmem:s31+$0x20] =	vst.add.f32.msk $0xffff, v1  }
0x9a: {  	[tilespmem:s31+$0x30] =	vst.add.f32.msk $0xffff, v0  }
0x9b: {  	[tilespmem:s31+$0x2020] =	vst.add.f32.msk $0xffff, v1  }
0x9c: {  	[tilespmem:s31+$0x2030] =	vst.add.f32.msk $0xffff, v0  }
0x9d: {  	v0 =	vld [tilespmem:s0+$0xFFFFFFE0];
	v1 =	vshll.u32 v2, $0x10  }
0x9e: {  	v2 =	vand.u32 $0xFFFF0000, v2;
	[tilespmem:s31+$0xC0] =	vst.add.f32.msk $0xffff, v1  }
0x9f: {  	[tilespmem:s31+$0xD0] =	vst.add.f32.msk $0xffff, v2  }
0xa0: {  	[tilespmem:s31+$0x20C0] =	vst.add.f32.msk $0xffff, v1  }
0xa1: {  	[tilespmem:s31+$0x20D0] =	vst.add.f32.msk $0xffff, v2  }
0xa2: {  	v1 =	vshll.u32 v0, $0x10;
	v2 =	vld [tilespmem:s0+$0x30]  }
0xa3: {  	v0 =	vand.u32 $0xFFFF0000, v0;
	[tilespmem:s31+$0x40] =	vst.add.f32.msk $0xffff, v1  }
0xa4: {  	[tilespmem:s31+$0x50] =	vst.add.f32.msk $0xffff, v0  }
0xa5: {  	[tilespmem:s31+$0x2040] =	vst.add.f32.msk $0xffff, v1  }
0xa6: {  	[tilespmem:s31+$0x2050] =	vst.add.f32.msk $0xffff, v0  }
0xa7: {  	v0 =	vld [tilespmem:s0+$0xFFFFFFF0];
	v1 =	vand.u32 $0xFFFF0000, v2  }
0xa8: {  	v2 =	vshll.u32 v2, $0x10;
	[tilespmem:s31+$0x20F0] =	vst.add.f32.msk $0xffff, v1  }
0xa9: {  	[tilespmem:s31+$0xE0] =	vst.add.f32.msk $0xffff, v2  }
0xaa: {  	[tilespmem:s31+$0xF0] =	vst.add.f32.msk $0xffff, v1  }
0xab: {  	s2 =	simm.s32 $0x1C0;
	s0 =	simm.s32 $0x0;
	[tilespmem:s31+$0x20E0] =	vst.add.f32.msk $0xffff, v2  }
.LBB2_4:
0xac: {  	v1 =	vld [tilespmem:s2+$0x0];
	v2 =	vshll.u32 v0, $0x10;
	v0 =	vand.u32 $0xFFFF0000, v0  }
0xad: {  	v3 =	vld [tilespmem:s2+$0xFFFFFFC0]  }
0xae: {  	[tilespmem:s31+$0x60] =	vst.add.f32.msk $0xffff, v2  }
0xaf: {  	[tilespmem:s31+$0x70] =	vst.add.f32.msk $0xffff, v0  }
0xb0: {  	[tilespmem:s31+$0x2060] =	vst.add.f32.msk $0xffff, v2  }
0xb1: {  	v2 =	vshll.u32 v1, $0x10;
	[tilespmem:s31+$0x2070] =	vst.add.f32.msk $0xffff, v0;
	s31 =	sadd.s32 $0x100, s31  }
0xb2: {  	v1 =	vand.u32 $0xFFFF0000, v1;
	v0 =	vshll.u32 v3, $0x10;
	v3 =	vand.u32 $0xFFFF0000, v3;
	[tilespmem:s31+$0x80] =	vst.add.f32.msk $0xffff, v2  }
0xb3: {  	[tilespmem:s31+$0x90] =	vst.add.f32.msk $0xffff, v1  }
0xb4: {  	[tilespmem:s31+$0x2080] =	vst.add.f32.msk $0xffff, v2  }
0xb5: {  	s0 =	sadd.s32 $0x2, s0;
	[tilespmem:s31+$0x2090] =	vst.add.f32.msk $0xffff, v1  }
0xb6: {  	p0 =	slt.u32 s0, $0x3E;
	v1 =	vld [tilespmem:s2+$0x10]  }
0xb7: {  	[tilespmem:s31+$0x0] =	vst.add.f32.msk $0xffff, v0  }
0xb8: {  	[tilespmem:s31+$0x10] =	vst.add.f32.msk $0xffff, v3  }
0xb9: {  	[tilespmem:s31+$0x2000] =	vst.add.f32.msk $0xffff, v0  }
0xba: {  	[tilespmem:s31+$0x2010] =	vst.add.f32.msk $0xffff, v3  }
0xbb: {  	v0 =	vld [tilespmem:s2+$0xFFFFFFD0];
	v2 =	vshll.u32 v1, $0x10  }
0xbc: {  	v1 =	vand.u32 $0xFFFF0000, v1;
	[tilespmem:s31+$0xA0] =	vst.add.f32.msk $0xffff, v2  }
0xbd: {  	[tilespmem:s31+$0xB0] =	vst.add.f32.msk $0xffff, v1  }
0xbe: {  	[tilespmem:s31+$0x20A0] =	vst.add.f32.msk $0xffff, v2  }
0xbf: {  	[tilespmem:s31+$0x20B0] =	vst.add.f32.msk $0xffff, v1  }
0xc0: {  	v1 =	vshll.u32 v0, $0x10;
	v0 =	vand.u32 $0xFFFF0000, v0;
	v2 =	vld [tilespmem:s2+$0x20]  }
0xc1: {  	[tilespmem:s31+$0x20] =	vst.add.f32.msk $0xffff, v1  }
0xc2: {  	[tilespmem:s31+$0x30] =	vst.add.f32.msk $0xffff, v0  }
0xc3: {  	[tilespmem:s31+$0x2020] =	vst.add.f32.msk $0xffff, v1  }
0xc4: {  	[tilespmem:s31+$0x2030] =	vst.add.f32.msk $0xffff, v0  }
0xc5: {  	v0 =	vld [tilespmem:s2+$0xFFFFFFE0];
	v1 =	vshll.u32 v2, $0x10  }
0xc6: {  	v2 =	vand.u32 $0xFFFF0000, v2;
	[tilespmem:s31+$0xC0] =	vst.add.f32.msk $0xffff, v1  }
0xc7: {  	[tilespmem:s31+$0xD0] =	vst.add.f32.msk $0xffff, v2  }
0xc8: {  	[tilespmem:s31+$0x20C0] =	vst.add.f32.msk $0xffff, v1  }
0xc9: {  	[tilespmem:s31+$0x20D0] =	vst.add.f32.msk $0xffff, v2  }
0xca: {  	v1 =	vshll.u32 v0, $0x10;
	v0 =	vand.u32 $0xFFFF0000, v0;
	v2 =	vld [tilespmem:s2+$0x30]  }
0xcb: {  	[tilespmem:s31+$0x40] =	vst.add.f32.msk $0xffff, v1  }
0xcc: {  	[tilespmem:s31+$0x50] =	vst.add.f32.msk $0xffff, v0  }
0xcd: {  	[tilespmem:s31+$0x2040] =	vst.add.f32.msk $0xffff, v1  }
0xce: {  	[tilespmem:s31+$0x2050] =	vst.add.f32.msk $0xffff, v0  }
.Ltmp1:
0xcf: {  	v0 =	vld [tilespmem:s2+$0xFFFFFFF0];
	v1 =	vshll.u32 v2, $0x10;
	v2 =	vand.u32 $0xFFFF0000, v2;
	(pc) =	sbr.rel @p0 .LBB2_4-.Ltmp1, $4  }
0xd0: {  	[tilespmem:s31+$0x20F0] =	vst.add.f32.msk $0xffff, v2  }
0xd1: {  	[tilespmem:s31+$0xE0] =	vst.add.f32.msk $0xffff, v1  }
0xd2: {  	[tilespmem:s31+$0xF0] =	vst.add.f32.msk $0xffff, v2  }
0xd3: {  	s2 =	sadd.s32 $0x80, s2;
	[tilespmem:s31+$0x20E0] =	vst.add.f32.msk $0xffff, v1  }
0xd4: {  	v1 =	vshll.u32 v0, $0x10  }
0xd5: {  	v63 =	vand.u32 $0xFFFF0000, v0;
	[tilespmem:s31+$0x60] =	vst.add.f32.msk $0xffff, v1  }
0xd6: {  	[tilespmem:s31+$0x70] =	vst.add.f32.msk $0xffff, v63  }
0xd7: {  	[tilespmem:s31+$0x2060] =	vst.add.f32.msk $0xffff, v1  }
0xd8: {  	[tilespmem:s31+$0x2070] =	vst.add.f32.msk $0xffff, v63  }
0xd9: {  	[hbm4b:s11+s3] =	stream.linear.scatter [tilespmem:s21], [sflag:$0x8], $0x2000, $0x38;
	[tilespmem:$0x9100] =	vst v63  }
0xda: {  	_ = 	snop  }
0xdb: {  	[hbm4b:s12+s3] =	stream.linear.scatter [tilespmem:s28], [sflag:$0x8], $0x2000, $0x38;
	[tilespmem:$0x9100] =	vst v63  }
0xdc: {  	_ =	swait.ge [sflag:s29], $0x2000  }
0xdd: {  	[sflag:s29] =	ssyncset.done $0x0  }
0xde: {  	[sflag:s29] =	ssyncadd.s32 $0xFFFFE000  }
0xdf: {  	_ =	swait.ge [sflag:s29], $0x2000  }
0xe0: {  	[sflag:s29] =	ssyncset.done $0x0  }
0xe1: {  	s30 =	sadd.s32 $0x1, s30;
	[sflag:s29] =	ssyncadd.s32 $0xFFFFE000  }
0xe2: {  	p0 =	sne.s32 s30, s13;
	_ =	swait.ge [sflag:s29], $0x2000  }
.Ltmp2:
0xe3: {  	[sflag:s29] =	ssyncset.done $0x0;
	(pc) =	sbr.rel @p0 .LBB2_1-.Ltmp2, $4  }
0xe4: {  	[sflag:s29] =	ssyncadd.s32 $0xFFFFE000  }
0xe5: {  	_ =	swait.ge [sflag:s29], $0x2000  }
0xe6: {  	[sflag:s29] =	ssyncset.done $0x0  }
0xe7: {  	[sflag:s29] =	ssyncadd.s32 $0xFFFFE000  }
0xe8: {  	_ =	sfence.sel $0x180000  }
0xe9: {  	[bflag:$0x0] =	sbarrier.arrive $0xFFFF  }
0xea: {  	_ =	strace $0x90000047  }
0xeb: {  	s0 =	stileid.u32;
	[bflag:$0x2] =	sbarrier.arrive $0xFFFF  }
0xec: {  	p0 =	sne.s32 s0, $0x0;
	s0 =	rddreg [dreg:$0x4]  }
0xed: {  	s0 =	sadd.s32 @!p0 $0x100000, s0  }
0xee: {  	[sflag:s0] =	ssyncadd.tile.s32 @!p0 $0x1;
	_ =	shalt  }
.Lfunc_end2:
_tile_overlayer_lowered:
.L_overlay_start_2:
0xef: {  	(tag) =	ssettag $0x2  }
0xf0: {  	s0 =	rddreg [dreg:$0x0];
	s2 =	stileid.u32  }
0xf1: {  	s1 =	rddreg [dreg:$0x1];
	p0 =	sne.s32 s2, $0x0  }
0xf2: {  	s3 =	rddreg [dreg:$0x2];
	[bflag:$0x3] =	sbarrier.arrive $0xFFFF;
	s2 =	simm.s32 @!p0 $0x1C09  }
0xf3: {  	[timem:s3], [sflag:s2] =	dma.local @!p0 [hbm:s0], s1  }
0xf4: {  	s0 =	simm.s32 @!p0 $0x9  }
0xf5: {  	_ =	swait.ge @!p0 [sflag:s0], s1  }
0xf6: {  	s1 =	ssub.s32 @!p0 $0x0, s1;
	[sflag:s0] =	ssyncset.done @!p0 $0x0  }
0xf7: {  	[sflag:s0] =	ssyncadd.s32 @!p0 s1  }
0xf8: {  	[bflag:$0x3] =	sbarrier.arrive $0xFFFF  }
0xf9: {  	_ =	shalt  }

</sc_bundles>
